<compile_context>
chip_gen: v7x
topology: tpu7x:2x2x1
jax: 0.10.2.dev20260603
libtpu: 0.0.44.dev20260713+nightly
codegen_flags: <defaults>
</compile_context>

<pallas_src>
import functools

import jax
import jax.numpy as jnp
from jax import lax
from jax.experimental import pallas as pl
from jax.experimental.pallas import tpu as pltpu
from jax.experimental.pallas import tpu_sc as plsc

_N = 512
_G = 32
_E = 8192

_INTERP = False

_NW = 32
_EPW = _E // _NW
_CH = _N * _N // 16


def _adj_sc_body(ei_hbm, out_hbm, src_v, dst_v, idx_v, val_v, zero_v, acc_sh):
    c = lax.axis_index("c")
    s = lax.axis_index("s")
    wid = s * 2 + c
    base = wid * _EPW

    pltpu.sync_copy(ei_hbm.at[0, pl.ds(base, _EPW)], src_v)
    pltpu.sync_copy(ei_hbm.at[1, pl.ds(base, _EPW)], dst_v)

    one = jnp.full((16,), 1.0, jnp.float32)
    for i in range(_EPW // 16):
        sl = pl.ds(i * 16, 16)
        idx_v[sl] = dst_v[sl] * _N + src_v[sl]
        val_v[sl] = one
    n = lax.iota(jnp.int32, 16) + wid * 16
    idx_v[pl.ds(_EPW, 16)] = n * (_N + 1)
    val_v[pl.ds(_EPW, 16)] = one

    zv = jnp.zeros((16,), jnp.float32)

    def zbody(i, carry):
        for j in range(8):
            zero_v[pl.ds(i * 128 + j * 16, 16)] = zv
        return carry
    lax.fori_loop(0, _CH // 128, zbody, 0)
    pltpu.sync_copy(zero_v, acc_sh.at[pl.ds(s * _CH, _CH)])
    plsc.subcore_barrier()

    pltpu.sync_copy(val_v, acc_sh.at[idx_v], add=True)
    plsc.subcore_barrier()

    pltpu.sync_copy(acc_sh.at[pl.ds(s * _CH, _CH)],
                    out_hbm.at[c, pl.ds(s * _CH, _CH)])


def _sum2_kernel(m2_ref, o_ref):
    o_ref[...] = m2_ref[0] + m2_ref[1]


def _sum_partials(m2):
    return pl.pallas_call(
        _sum2_kernel,
        out_shape=jax.ShapeDtypeStruct((_N, _N), jnp.float32),
        interpret=_INTERP,
    )(m2)


def _build_adj_sc(edge_index):
    mesh = plsc.VectorSubcoreMesh(core_axis_name="c", subcore_axis_name="s")
    k = pl.kernel(
        _adj_sc_body,
        mesh=mesh,
        out_type=jax.ShapeDtypeStruct((2, _N * _N), jnp.float32),
        scratch_types=[
            pltpu.VMEM((_EPW,), jnp.int32),
            pltpu.VMEM((_EPW,), jnp.int32),
            pltpu.VMEM((_EPW + 16,), jnp.int32),
            pltpu.VMEM((_EPW + 16,), jnp.float32),
            pltpu.VMEM((_CH,), jnp.float32),
            pltpu.VMEM_SHARED((_N * _N,), jnp.float32),
        ],
    )
    return k(edge_index)


def _gat_kernel(x_ref, m_ref, w_ref, as_ref, ad_ref, b_ref, o_ref,
                *, heads, out_ch, pool):
    xg = x_ref[0]
    h = jnp.dot(xg, w_ref[...], preferred_element_type=jnp.float32)
    asrc = jnp.dot(h, as_ref[...], preferred_element_type=jnp.float32,
                   precision=jax.lax.Precision.HIGHEST)
    adst = jnp.dot(h, ad_ref[...], preferred_element_type=jnp.float32,
                   precision=jax.lax.Precision.HIGHEST)
    asrc_t = jnp.transpose(asrc)
    mm = m_ref[...]
    h_hi = h.astype(jnp.bfloat16)
    h_lo = (h - h_hi.astype(jnp.float32)).astype(jnp.bfloat16)
    outs = []
    for k in range(heads):
        logit = adst[:, k:k + 1] + asrc_t[k:k + 1, :]
        alpha = jnp.where(logit >= 0.0, jnp.minimum(logit, 60.0),
                          0.2 * logit)
        e = jnp.exp(alpha) * mm
        rdenom = 1.0 / (jnp.sum(e, axis=1, keepdims=True) + 1e-16)
        e_hi = e.astype(jnp.bfloat16)
        e_lo = (e - e_hi.astype(jnp.float32)).astype(jnp.bfloat16)
        hk_hi = h_hi[:, k * out_ch:(k + 1) * out_ch]
        hk_lo = h_lo[:, k * out_ch:(k + 1) * out_ch]
        agg = (jnp.dot(e_hi, hk_hi, preferred_element_type=jnp.float32)
               + (jnp.dot(e_hi, hk_lo, preferred_element_type=jnp.float32)
                  + jnp.dot(e_lo, hk_hi, preferred_element_type=jnp.float32)))
        outs.append(agg * rdenom)
    out = outs[0] if heads == 1 else jnp.concatenate(outs, axis=1)
    out = jnp.maximum(out + b_ref[...], 0.0)
    if pool:
        o_ref[0] = jnp.sum(out, axis=0, keepdims=True)
    else:
        o_ref[0] = out


def _gat_layer(x, m, w, a_src, a_dst, b, heads, out_ch, pool):
    cin = x.shape[-1]
    cout = heads * out_ch
    eye = jnp.eye(heads, dtype=jnp.float32)
    a_s = (a_src[:, :, None] * eye[:, None, :]).reshape(cout, heads)
    a_d = (a_dst[:, :, None] * eye[:, None, :]).reshape(cout, heads)
    odim = out_ch if heads == 1 else cout
    oshape = (_G, 1, odim) if pool else (_G, _N, odim)
    ospec = (pl.BlockSpec((1, 1, odim), lambda g: (g, 0, 0)) if pool
             else pl.BlockSpec((1, _N, odim), lambda g: (g, 0, 0)))
    out = pl.pallas_call(
        functools.partial(_gat_kernel, heads=heads, out_ch=out_ch, pool=pool),
        grid=(_G,),
        in_specs=[
            pl.BlockSpec((1, _N, cin), lambda g: (g, 0, 0)),
            pl.BlockSpec((_N, _N), lambda g: (0, 0)),
            pl.BlockSpec((cin, cout), lambda g: (0, 0)),
            pl.BlockSpec((cout, heads), lambda g: (0, 0)),
            pl.BlockSpec((cout, heads), lambda g: (0, 0)),
            pl.BlockSpec((1, cout), lambda g: (0, 0)),
        ],
        out_specs=ospec,
        out_shape=jax.ShapeDtypeStruct(oshape, jnp.float32),
        interpret=_INTERP,
    )(x, m, w, a_s, a_d, b.reshape(1, cout))
    return out.reshape(_G, odim) if pool else out


_DNT = (((1,), (1,)), ((), ()))


def _dot_t(a, b):
    return jax.lax.dot_general(a, b, _DNT, preferred_element_type=jnp.float32)


def _lstm_kernel(seq_ref, wih_f_ref, whh_f_ref, bf_ref,
                 wih_b_ref, whh_b_ref, bb_ref,
                 wmu_ref, bmu_ref, wlv_ref, blv_ref, wpi_ref, bpi_ref, o_ref):
    bs = 4
    hdim = 256
    h_f = jnp.zeros((bs, hdim), jnp.float32)
    c_f = jnp.zeros((bs, hdim), jnp.float32)
    h_b = jnp.zeros((bs, hdim), jnp.float32)
    c_b = jnp.zeros((bs, hdim), jnp.float32)
    wih_f = jnp.transpose(wih_f_ref[...])
    whh_f = jnp.transpose(whh_f_ref[...])
    wih_b = jnp.transpose(wih_b_ref[...])
    whh_b = jnp.transpose(whh_b_ref[...])

    def cell(xt, h, c, wih, whh, bias):
        g = (jnp.dot(xt, wih, preferred_element_type=jnp.float32)
             + jnp.dot(h, whh, preferred_element_type=jnp.float32) + bias)
        i = jax.nn.sigmoid(g[:, 0:hdim])
        f = jax.nn.sigmoid(g[:, hdim:2 * hdim])
        gg = jnp.tanh(g[:, 2 * hdim:3 * hdim])
        o = jax.nn.sigmoid(g[:, 3 * hdim:4 * hdim])
        c = f * c + i * gg
        h = o * jnp.tanh(c)
        return h, c

    for t in range(8):
        h_f, c_f = cell(seq_ref[t], h_f, c_f, wih_f, whh_f, bf_ref[...])
        h_b, c_b = cell(seq_ref[7 - t], h_b, c_b, wih_b, whh_b, bb_ref[...])

    temporal = jnp.concatenate([h_f, h_b], axis=1)
    o_ref[:, 0:2048] = _dot_t(temporal, wmu_ref[...]) + bmu_ref[...]
    o_ref[:, 2048:4096] = _dot_t(temporal, wlv_ref[...]) + blv_ref[...]
    o_ref[:, 4096:4128] = _dot_t(temporal, wpi_ref[...]) + bpi_ref[...]


def _lstm_heads(gemb, wih_f, whh_f, b_f, wih_b, whh_b, b_b,
                wmu, bmu, wlv, blv, wpi, bpi):
    seq = jnp.transpose(gemb.reshape(4, 8, 64), (1, 0, 2))
    return pl.pallas_call(
        _lstm_kernel,
        out_shape=jax.ShapeDtypeStruct((4, 4128), jnp.float32),
        interpret=_INTERP,
    )(seq, wih_f, whh_f, b_f.reshape(1, -1),
      wih_b, whh_b, b_b.reshape(1, -1),
      wmu, bmu.reshape(1, -1), wlv, blv.reshape(1, -1),
      wpi, bpi.reshape(1, -1))


def kernel(x, edge_index, W1, a_s1, a_d1, b1, W2, a_s2, a_d2, b2,
           W3, a_s3, a_d3, b3, Wih_f, Whh_f, bih_f, bhh_f,
           Wih_b, Whh_b, bih_b, bhh_b, Wmu, bmu, Wlv, blv, Wpi, bpi):
    m = _sum_partials(_build_adj_sc(edge_index).reshape(2, _N, _N))
    xt = x.reshape(_G, _N, 128)
    xt = _gat_layer(xt, m, W1, a_s1, a_d1, b1, 4, 64, False)
    xt = _gat_layer(xt, m, W2, a_s2, a_d2, b2, 4, 64, False)
    gemb = _gat_layer(xt, m, W3, a_s3, a_d3, b3, 1, 64, True)

    out = _lstm_heads(gemb, Wih_f, Whh_f, bih_f + bhh_f,
                      Wih_b, Whh_b, bih_b + bhh_b,
                      Wmu, bmu, Wlv, blv, Wpi, bpi)
    mu = out[:, :2048].reshape(4, 32, 64)
    logvar = out[:, 2048:4096].reshape(4, 32, 64)
    pi = out[:, 4096:4128]
    return (mu, logvar, pi)

# --- scband reference (transcript-rebuilt; emitter-appended) ---
"""Pipeline reference for scband-gmmencoder-13615046328719 (READ-ONLY COPY).

The authoritative reference and input builder live on the scoring server;
editing this copy changes nothing except your own understanding.
"""

import jax, jax.numpy as jnp
import numpy as np


def _gat(x, src, dst, W, a_src, a_dst, b, heads, out_ch, concat):
    N = x.shape[0]
    h = (x @ W).reshape(N, heads, out_ch)
    asrc = (h * a_src[None, :, :]).sum(-1)
    adst = (h * a_dst[None, :, :]).sum(-1)
    alpha = jax.nn.leaky_relu(asrc[src] + adst[dst], 0.2)
    amax = jax.ops.segment_max(alpha, dst, num_segments=N)
    amax = jnp.where(jnp.isfinite(amax), amax, 0.0)
    e = jnp.exp(alpha - amax[dst])
    denom = jax.ops.segment_sum(e, dst, num_segments=N)
    coef = e / (denom[dst] + 1e-16)
    out = jax.ops.segment_sum(h[src] * coef[:, :, None], dst, num_segments=N)
    if concat:
        out = out.reshape(N, heads * out_ch)
    else:
        out = out.mean(axis=1)
    return out + b


def _lstm_dir(seq, Wih, Whh, bih, bhh, H):
    B = seq.shape[1]
    def step(carry, xt):
        h, c = carry
        g = xt @ Wih.T + h @ Whh.T + bih + bhh
        i, f, gg, o = jnp.split(g, 4, axis=-1)
        c = jax.nn.sigmoid(f) * c + jax.nn.sigmoid(i) * jnp.tanh(gg)
        h = jax.nn.sigmoid(o) * jnp.tanh(c)
        return (h, c), h
    init = (jnp.zeros((B, H), seq.dtype), jnp.zeros((B, H), seq.dtype))
    (hT, cT), _ = jax.lax.scan(step, init, seq)
    return hT


def _forward(x, edge_index, params):
    (W1, a_s1, a_d1, b1, W2, a_s2, a_d2, b2, W3, a_s3, a_d3, b3,
     Wih_f, Whh_f, bih_f, bhh_f, Wih_b, Whh_b, bih_b, bhh_b,
     Wmu, bmu, Wlv, blv, Wpi, bpi) = params
    bs, seq_len, num_nodes, _ = x.shape
    xt = x.reshape(bs * seq_len * num_nodes, -1)
    num_graphs = bs * seq_len
    E = edge_index.shape[1]
    bei = jnp.tile(edge_index, (1, num_graphs))
    offset = jnp.repeat(jnp.arange(num_graphs, dtype=edge_index.dtype), E) * num_nodes
    bei = bei + offset[None, :]
    N = num_graphs * num_nodes
    loops = jnp.arange(N, dtype=edge_index.dtype)
    src = jnp.concatenate([bei[0], loops])
    dst = jnp.concatenate([bei[1], loops])
    batch_idx = jnp.repeat(jnp.arange(num_graphs), num_nodes)
    xt = jax.nn.relu(_gat(xt, src, dst, W1, a_s1, a_d1, b1, 4, 64, True))
    xt = jax.nn.relu(_gat(xt, src, dst, W2, a_s2, a_d2, b2, 4, 64, True))
    xt = jax.nn.relu(_gat(xt, src, dst, W3, a_s3, a_d3, b3, 1, 64, False))
    graph_embs = jax.ops.segment_sum(xt, batch_idx, num_segments=num_graphs)
    graph_embs = graph_embs.reshape(bs, seq_len, -1)
    seq = jnp.transpose(graph_embs, (1, 0, 2))
    h_f = _lstm_dir(seq, Wih_f, Whh_f, bih_f, bhh_f, 256)
    h_b = _lstm_dir(seq[::-1], Wih_b, Whh_b, bih_b, bhh_b, 256)
    temporal = jnp.concatenate([h_f, h_b], axis=1)
    mu = (temporal @ Wmu.T + bmu).reshape(bs, 32, 64)
    logvar = (temporal @ Wlv.T + blv).reshape(bs, 32, 64)
    pi_logits = temporal @ Wpi.T + bpi
    return (mu, logvar, pi_logits)


def setup_inputs(seed: int = 0):
    key = jax.random.key(seed)
    ks = jax.random.split(key, 40)
    def rn(i, shape, s=0.1):
        return jax.random.normal(ks[i], shape, dtype=jnp.float32) * s
    return {
        "x": jax.random.normal(ks[0], (4, 8, 512, 128), dtype=jnp.float32),
        "edge_index": jax.random.randint(ks[1], (2, 8192), 0, 512, dtype=jnp.int32),
        "W1": rn(2, (128, 256)), "a_s1": rn(3, (4, 64)), "a_d1": rn(4, (4, 64)), "b1": rn(5, (256,)),
        "W2": rn(6, (256, 256)), "a_s2": rn(7, (4, 64)), "a_d2": rn(8, (4, 64)), "b2": rn(9, (256,)),
        "W3": rn(10, (256, 64)), "a_s3": rn(11, (1, 64)), "a_d3": rn(12, (1, 64)), "b3": rn(13, (64,)),
        "Wih_f": rn(14, (1024, 64)), "Whh_f": rn(15, (1024, 256)), "bih_f": rn(16, (1024,)), "bhh_f": rn(17, (1024,)),
        "Wih_b": rn(18, (1024, 64)), "Whh_b": rn(19, (1024, 256)), "bih_b": rn(20, (1024,)), "bhh_b": rn(21, (1024,)),
        "Wmu": rn(22, (2048, 512)), "bmu": rn(23, (2048,)),
        "Wlv": rn(24, (2048, 512)), "blv": rn(25, (2048,)),
        "Wpi": rn(26, (32, 512)), "bpi": rn(27, (32,)),
    }


def reference(x, edge_index, W1, a_s1, a_d1, b1, W2, a_s2, a_d2, b2, W3, a_s3, a_d3, b3, Wih_f, Whh_f, bih_f, bhh_f, Wih_b, Whh_b, bih_b, bhh_b, Wmu, bmu, Wlv, blv, Wpi, bpi):
    params = (W1, a_s1, a_d1, b1, W2, a_s2, a_d2, b2, W3, a_s3, a_d3, b3,
              Wih_f, Whh_f, bih_f, bhh_f, Wih_b, Whh_b, bih_b, bhh_b,
              Wmu, bmu, Wlv, blv, Wpi, bpi)
    return _forward(x, edge_index, params)

if __name__ == "__main__":
    import jax
    _d = setup_inputs()
    print(jax.jit(kernel)(*tuple(_d.values())))

</pallas_src>

<mosaic_0001>
#map = affine_map<(d0, d1) -> (0, 0)>
module attributes {stable_mosaic.version = 14 : i64} {
  func.func @_adj_sc_body(%arg0: i32, %arg1: i32, %arg2: memref<2x8192xi32, #tpu.memory_space<hbm>>, %arg3: memref<2x262144xf32, #tpu.memory_space<hbm>>, %arg4: memref<256xi32, #tpu.memory_space<vmem>>, %arg5: memref<256xi32, #tpu.memory_space<vmem>>, %arg6: memref<272xi32, #tpu.memory_space<vmem>>, %arg7: memref<272xf32, #tpu.memory_space<vmem>>, %arg8: memref<16384xf32, #tpu.memory_space<vmem>>, %arg9: memref<262144xf32, #tpu.memory_space<vmem_shared>>) attributes {dimension_semantics = [#tpu.dimension_semantics<core_parallel>, #tpu.dimension_semantics<subcore_parallel>], iteration_bounds = array<i64: 2, 16>, scalar_prefetch = 0 : i64, scratch_operands = 6 : i64, tpu.core_type = #tpu.core_type<sc_vector_subcore>, window_params = [{transform_indices = #map}, {transform_indices = #map}]} {
    %mul3A = arith.constant 2 : i32
    %mul3A_0 = arith.muli %arg1, %mul3A : i32
    %add3A = arith.addi %mul3A_0, %arg0 : i32
    %mul3A_1 = arith.constant 256 : i32
    %mul3A_2 = arith.muli %add3A, %mul3A_1 : i32
    %run_scoped3A = arith.constant 0 : i32
    "tpu.region"() ({
      %run_scoped3A_320 = tpu.sem_alloc : memref<!tpu.dma_semaphore, #tpu.memory_space<semaphore_mem>>
      %dma_start3A = tpu.memref_slice %arg2[%run_scoped3A, %mul3A_2] : memref<2x8192xi32, #tpu.memory_space<hbm>> -> memref<1x256xi32, #tpu.memory_space<hbm>>
      %dma_start3A_321 = tpu.memref_squeeze %dma_start3A : memref<1x256xi32, #tpu.memory_space<hbm>> -> memref<256xi32, #tpu.memory_space<hbm>>
      %dma_start3A_322 = tpu.memref_slice %arg2[%run_scoped3A, %mul3A_2] : memref<2x8192xi32, #tpu.memory_space<hbm>> -> memref<1x256xi32, #tpu.memory_space<hbm>>
      %dma_start3A_323 = tpu.memref_squeeze %dma_start3A_322 : memref<1x256xi32, #tpu.memory_space<hbm>> -> memref<256xi32, #tpu.memory_space<hbm>>
      tpu.enqueue_dma source(%dma_start3A_323 : memref<256xi32, #tpu.memory_space<hbm>>) target(%arg4 : memref<256xi32, #tpu.memory_space<vmem>>) target_semaphore(%run_scoped3A_320 : memref<!tpu.dma_semaphore, #tpu.memory_space<semaphore_mem>>)
      %dma_wait3A = tpu.memref_slice %arg2[%run_scoped3A, %mul3A_2] : memref<2x8192xi32, #tpu.memory_space<hbm>> -> memref<1x256xi32, #tpu.memory_space<hbm>>
      %dma_wait3A_324 = tpu.memref_squeeze %dma_wait3A : memref<1x256xi32, #tpu.memory_space<hbm>> -> memref<256xi32, #tpu.memory_space<hbm>>
      %dma_wait3A_325 = tpu.memref_slice %arg2[%run_scoped3A, %mul3A_2] : memref<2x8192xi32, #tpu.memory_space<hbm>> -> memref<1x256xi32, #tpu.memory_space<hbm>>
      %dma_wait3A_326 = tpu.memref_squeeze %dma_wait3A_325 : memref<1x256xi32, #tpu.memory_space<hbm>> -> memref<256xi32, #tpu.memory_space<hbm>>
      tpu.wait_dma2 semaphore(%run_scoped3A_320 : memref<!tpu.dma_semaphore, #tpu.memory_space<semaphore_mem>>) src(%dma_wait3A_326 : memref<256xi32, #tpu.memory_space<hbm>>) dst(%arg4 : memref<256xi32, #tpu.memory_space<vmem>>)
      tpu.yield
    }) : () -> ()
    %run_scoped3A_3 = arith.constant 1 : i32
    "tpu.region"() ({
      %run_scoped3A_320 = tpu.sem_alloc : memref<!tpu.dma_semaphore, #tpu.memory_space<semaphore_mem>>
      %dma_start3A = tpu.memref_slice %arg2[%run_scoped3A_3, %mul3A_2] : memref<2x8192xi32, #tpu.memory_space<hbm>> -> memref<1x256xi32, #tpu.memory_space<hbm>>
      %dma_start3A_321 = tpu.memref_squeeze %dma_start3A : memref<1x256xi32, #tpu.memory_space<hbm>> -> memref<256xi32, #tpu.memory_space<hbm>>
      %dma_start3A_322 = tpu.memref_slice %arg2[%run_scoped3A_3, %mul3A_2] : memref<2x8192xi32, #tpu.memory_space<hbm>> -> memref<1x256xi32, #tpu.memory_space<hbm>>
      %dma_start3A_323 = tpu.memref_squeeze %dma_start3A_322 : memref<1x256xi32, #tpu.memory_space<hbm>> -> memref<256xi32, #tpu.memory_space<hbm>>
      tpu.enqueue_dma source(%dma_start3A_323 : memref<256xi32, #tpu.memory_space<hbm>>) target(%arg5 : memref<256xi32, #tpu.memory_space<vmem>>) target_semaphore(%run_scoped3A_320 : memref<!tpu.dma_semaphore, #tpu.memory_space<semaphore_mem>>)
      %dma_wait3A = tpu.memref_slice %arg2[%run_scoped3A_3, %mul3A_2] : memref<2x8192xi32, #tpu.memory_space<hbm>> -> memref<1x256xi32, #tpu.memory_space<hbm>>
      %dma_wait3A_324 = tpu.memref_squeeze %dma_wait3A : memref<1x256xi32, #tpu.memory_space<hbm>> -> memref<256xi32, #tpu.memory_space<hbm>>
      %dma_wait3A_325 = tpu.memref_slice %arg2[%run_scoped3A_3, %mul3A_2] : memref<2x8192xi32, #tpu.memory_space<hbm>> -> memref<1x256xi32, #tpu.memory_space<hbm>>
      %dma_wait3A_326 = tpu.memref_squeeze %dma_wait3A_325 : memref<1x256xi32, #tpu.memory_space<hbm>> -> memref<256xi32, #tpu.memory_space<hbm>>
      tpu.wait_dma2 semaphore(%run_scoped3A_320 : memref<!tpu.dma_semaphore, #tpu.memory_space<semaphore_mem>>) src(%dma_wait3A_326 : memref<256xi32, #tpu.memory_space<hbm>>) dst(%arg5 : memref<256xi32, #tpu.memory_space<vmem>>)
      tpu.yield
    }) : () -> ()
    %broadcast_in_dim3A = arith.constant 1.000000e+00 : f32
    %broadcast_in_dim3A_4 = vector.broadcast %broadcast_in_dim3A : f32 to vector<16xf32>
    %get3A = arith.constant 0 : index
    %get3A_5 = tpu.vector_load %arg5[%get3A] {strides = array<i32>} : memref<256xi32, #tpu.memory_space<vmem>>, vector<16xi32>,
    %get3A_6 = vector.shape_cast %get3A_5 : vector<16xi32> to vector<16xi32>
    %mul3A_7 = arith.constant 512 : i32
    %mul3A_8 = vector.broadcast %mul3A_7 : i32 to vector<16xi32>
    %mul3A_9 = arith.muli %get3A_6, %mul3A_8 : vector<16xi32>
    %get3A_10 = arith.constant 0 : index
    %get3A_11 = tpu.vector_load %arg4[%get3A_10] {strides = array<i32>} : memref<256xi32, #tpu.memory_space<vmem>>, vector<16xi32>,
    %get3A_12 = vector.shape_cast %get3A_11 : vector<16xi32> to vector<16xi32>
    %add3A_13 = arith.addi %mul3A_9, %get3A_12 : vector<16xi32>
    %swap3A = arith.constant 0 : index
    %swap3A_14 = tpu.vector_load %arg6[%swap3A] {strides = array<i32>} : memref<272xi32, #tpu.memory_space<vmem>>, vector<16xi32>,
    %swap3A_15 = vector.shape_cast %swap3A_14 : vector<16xi32> to vector<16xi32>
    %swap3A_16 = vector.shape_cast %add3A_13 : vector<16xi32> to vector<16xi32>
    tpu.vector_store %arg6[%swap3A], %swap3A_16 {strides = array<i32>} : memref<272xi32, #tpu.memory_space<vmem>>, vector<16xi32>,
    %swap3A_17 = arith.constant 0 : index
    %swap3A_18 = tpu.vector_load %arg7[%swap3A_17] {strides = array<i32>} : memref<272xf32, #tpu.memory_space<vmem>>, vector<16xf32>,
    %swap3A_19 = vector.shape_cast %swap3A_18 : vector<16xf32> to vector<16xf32>
    %swap3A_20 = vector.shape_cast %broadcast_in_dim3A_4 : vector<16xf32> to vector<16xf32>
    tpu.vector_store %arg7[%swap3A_17], %swap3A_20 {strides = array<i32>} : memref<272xf32, #tpu.memory_space<vmem>>, vector<16xf32>,
    %get3A_21 = arith.constant 16 : index
    %get3A_22 = tpu.vector_load %arg5[%get3A_21] {strides = array<i32>} : memref<256xi32, #tpu.memory_space<vmem>>, vector<16xi32>,
    %get3A_23 = vector.shape_cast %get3A_22 : vector<16xi32> to vector<16xi32>
    %mul3A_24 = arith.constant 512 : i32
    %mul3A_25 = vector.broadcast %mul3A_24 : i32 to vector<16xi32>
    %mul3A_26 = arith.muli %get3A_23, %mul3A_25 : vector<16xi32>
    %get3A_27 = arith.constant 16 : index
    %get3A_28 = tpu.vector_load %arg4[%get3A_27] {strides = array<i32>} : memref<256xi32, #tpu.memory_space<vmem>>, vector<16xi32>,
    %get3A_29 = vector.shape_cast %get3A_28 : vector<16xi32> to vector<16xi32>
    %add3A_30 = arith.addi %mul3A_26, %get3A_29 : vector<16xi32>
    %swap3A_31 = arith.constant 16 : index
    %swap3A_32 = tpu.vector_load %arg6[%swap3A_31] {strides = array<i32>} : memref<272xi32, #tpu.memory_space<vmem>>, vector<16xi32>,
    %swap3A_33 = vector.shape_cast %swap3A_32 : vector<16xi32> to vector<16xi32>
    %swap3A_34 = vector.shape_cast %add3A_30 : vector<16xi32> to vector<16xi32>
    tpu.vector_store %arg6[%swap3A_31], %swap3A_34 {strides = array<i32>} : memref<272xi32, #tpu.memory_space<vmem>>, vector<16xi32>,
    %swap3A_35 = arith.constant 16 : index
    %swap3A_36 = tpu.vector_load %arg7[%swap3A_35] {strides = array<i32>} : memref<272xf32, #tpu.memory_space<vmem>>, vector<16xf32>,
    %swap3A_37 = vector.shape_cast %swap3A_36 : vector<16xf32> to vector<16xf32>
    %swap3A_38 = vector.shape_cast %broadcast_in_dim3A_4 : vector<16xf32> to vector<16xf32>
    tpu.vector_store %arg7[%swap3A_35], %swap3A_38 {strides = array<i32>} : memref<272xf32, #tpu.memory_space<vmem>>, vector<16xf32>,
    %get3A_39 = arith.constant 32 : index
    %get3A_40 = tpu.vector_load %arg5[%get3A_39] {strides = array<i32>} : memref<256xi32, #tpu.memory_space<vmem>>, vector<16xi32>,
    %get3A_41 = vector.shape_cast %get3A_40 : vector<16xi32> to vector<16xi32>
    %mul3A_42 = arith.constant 512 : i32
    %mul3A_43 = vector.broadcast %mul3A_42 : i32 to vector<16xi32>
    %mul3A_44 = arith.muli %get3A_41, %mul3A_43 : vector<16xi32>
    %get3A_45 = arith.constant 32 : index
    %get3A_46 = tpu.vector_load %arg4[%get3A_45] {strides = array<i32>} : memref<256xi32, #tpu.memory_space<vmem>>, vector<16xi32>,
    %get3A_47 = vector.shape_cast %get3A_46 : vector<16xi32> to vector<16xi32>
    %add3A_48 = arith.addi %mul3A_44, %get3A_47 : vector<16xi32>
    %swap3A_49 = arith.constant 32 : index
    %swap3A_50 = tpu.vector_load %arg6[%swap3A_49] {strides = array<i32>} : memref<272xi32, #tpu.memory_space<vmem>>, vector<16xi32>,
    %swap3A_51 = vector.shape_cast %swap3A_50 : vector<16xi32> to vector<16xi32>
    %swap3A_52 = vector.shape_cast %add3A_48 : vector<16xi32> to vector<16xi32>
    tpu.vector_store %arg6[%swap3A_49], %swap3A_52 {strides = array<i32>} : memref<272xi32, #tpu.memory_space<vmem>>, vector<16xi32>,
    %swap3A_53 = arith.constant 32 : index
    %swap3A_54 = tpu.vector_load %arg7[%swap3A_53] {strides = array<i32>} : memref<272xf32, #tpu.memory_space<vmem>>, vector<16xf32>,
    %swap3A_55 = vector.shape_cast %swap3A_54 : vector<16xf32> to vector<16xf32>
    %swap3A_56 = vector.shape_cast %broadcast_in_dim3A_4 : vector<16xf32> to vector<16xf32>
    tpu.vector_store %arg7[%swap3A_53], %swap3A_56 {strides = array<i32>} : memref<272xf32, #tpu.memory_space<vmem>>, vector<16xf32>,
    %get3A_57 = arith.constant 48 : index
    %get3A_58 = tpu.vector_load %arg5[%get3A_57] {strides = array<i32>} : memref<256xi32, #tpu.memory_space<vmem>>, vector<16xi32>,
    %get3A_59 = vector.shape_cast %get3A_58 : vector<16xi32> to vector<16xi32>
    %mul3A_60 = arith.constant 512 : i32
    %mul3A_61 = vector.broadcast %mul3A_60 : i32 to vector<16xi32>
    %mul3A_62 = arith.muli %get3A_59, %mul3A_61 : vector<16xi32>
    %get3A_63 = arith.constant 48 : index
    %get3A_64 = tpu.vector_load %arg4[%get3A_63] {strides = array<i32>} : memref<256xi32, #tpu.memory_space<vmem>>, vector<16xi32>,
    %get3A_65 = vector.shape_cast %get3A_64 : vector<16xi32> to vector<16xi32>
    %add3A_66 = arith.addi %mul3A_62, %get3A_65 : vector<16xi32>
    %swap3A_67 = arith.constant 48 : index
    %swap3A_68 = tpu.vector_load %arg6[%swap3A_67] {strides = array<i32>} : memref<272xi32, #tpu.memory_space<vmem>>, vector<16xi32>,
    %swap3A_69 = vector.shape_cast %swap3A_68 : vector<16xi32> to vector<16xi32>
    %swap3A_70 = vector.shape_cast %add3A_66 : vector<16xi32> to vector<16xi32>
    tpu.vector_store %arg6[%swap3A_67], %swap3A_70 {strides = array<i32>} : memref<272xi32, #tpu.memory_space<vmem>>, vector<16xi32>,
    %swap3A_71 = arith.constant 48 : index
    %swap3A_72 = tpu.vector_load %arg7[%swap3A_71] {strides = array<i32>} : memref<272xf32, #tpu.memory_space<vmem>>, vector<16xf32>,
    %swap3A_73 = vector.shape_cast %swap3A_72 : vector<16xf32> to vector<16xf32>
    %swap3A_74 = vector.shape_cast %broadcast_in_dim3A_4 : vector<16xf32> to vector<16xf32>
    tpu.vector_store %arg7[%swap3A_71], %swap3A_74 {strides = array<i32>} : memref<272xf32, #tpu.memory_space<vmem>>, vector<16xf32>,
    %get3A_75 = arith.constant 64 : index
    %get3A_76 = tpu.vector_load %arg5[%get3A_75] {strides = array<i32>} : memref<256xi32, #tpu.memory_space<vmem>>, vector<16xi32>,
    %get3A_77 = vector.shape_cast %get3A_76 : vector<16xi32> to vector<16xi32>
    %mul3A_78 = arith.constant 512 : i32
    %mul3A_79 = vector.broadcast %mul3A_78 : i32 to vector<16xi32>
    %mul3A_80 = arith.muli %get3A_77, %mul3A_79 : vector<16xi32>
    %get3A_81 = arith.constant 64 : index
    %get3A_82 = tpu.vector_load %arg4[%get3A_81] {strides = array<i32>} : memref<256xi32, #tpu.memory_space<vmem>>, vector<16xi32>,
    %get3A_83 = vector.shape_cast %get3A_82 : vector<16xi32> to vector<16xi32>
    %add3A_84 = arith.addi %mul3A_80, %get3A_83 : vector<16xi32>
    %swap3A_85 = arith.constant 64 : index
    %swap3A_86 = tpu.vector_load %arg6[%swap3A_85] {strides = array<i32>} : memref<272xi32, #tpu.memory_space<vmem>>, vector<16xi32>,
    %swap3A_87 = vector.shape_cast %swap3A_86 : vector<16xi32> to vector<16xi32>
    %swap3A_88 = vector.shape_cast %add3A_84 : vector<16xi32> to vector<16xi32>
    tpu.vector_store %arg6[%swap3A_85], %swap3A_88 {strides = array<i32>} : memref<272xi32, #tpu.memory_space<vmem>>, vector<16xi32>,
    %swap3A_89 = arith.constant 64 : index
    %swap3A_90 = tpu.vector_load %arg7[%swap3A_89] {strides = array<i32>} : memref<272xf32, #tpu.memory_space<vmem>>, vector<16xf32>,
    %swap3A_91 = vector.shape_cast %swap3A_90 : vector<16xf32> to vector<16xf32>
    %swap3A_92 = vector.shape_cast %broadcast_in_dim3A_4 : vector<16xf32> to vector<16xf32>
    tpu.vector_store %arg7[%swap3A_89], %swap3A_92 {strides = array<i32>} : memref<272xf32, #tpu.memory_space<vmem>>, vector<16xf32>,
    %get3A_93 = arith.constant 80 : index
    %get3A_94 = tpu.vector_load %arg5[%get3A_93] {strides = array<i32>} : memref<256xi32, #tpu.memory_space<vmem>>, vector<16xi32>,
    %get3A_95 = vector.shape_cast %get3A_94 : vector<16xi32> to vector<16xi32>
    %mul3A_96 = arith.constant 512 : i32
    %mul3A_97 = vector.broadcast %mul3A_96 : i32 to vector<16xi32>
    %mul3A_98 = arith.muli %get3A_95, %mul3A_97 : vector<16xi32>
    %get3A_99 = arith.constant 80 : index
    %get3A_100 = tpu.vector_load %arg4[%get3A_99] {strides = array<i32>} : memref<256xi32, #tpu.memory_space<vmem>>, vector<16xi32>,
    %get3A_101 = vector.shape_cast %get3A_100 : vector<16xi32> to vector<16xi32>
    %add3A_102 = arith.addi %mul3A_98, %get3A_101 : vector<16xi32>
    %swap3A_103 = arith.constant 80 : index
    %swap3A_104 = tpu.vector_load %arg6[%swap3A_103] {strides = array<i32>} : memref<272xi32, #tpu.memory_space<vmem>>, vector<16xi32>,
    %swap3A_105 = vector.shape_cast %swap3A_104 : vector<16xi32> to vector<16xi32>
    %swap3A_106 = vector.shape_cast %add3A_102 : vector<16xi32> to vector<16xi32>
    tpu.vector_store %arg6[%swap3A_103], %swap3A_106 {strides = array<i32>} : memref<272xi32, #tpu.memory_space<vmem>>, vector<16xi32>,
    %swap3A_107 = arith.constant 80 : index
    %swap3A_108 = tpu.vector_load %arg7[%swap3A_107] {strides = array<i32>} : memref<272xf32, #tpu.memory_space<vmem>>, vector<16xf32>,
    %swap3A_109 = vector.shape_cast %swap3A_108 : vector<16xf32> to vector<16xf32>
    %swap3A_110 = vector.shape_cast %broadcast_in_dim3A_4 : vector<16xf32> to vector<16xf32>
    tpu.vector_store %arg7[%swap3A_107], %swap3A_110 {strides = array<i32>} : memref<272xf32, #tpu.memory_space<vmem>>, vector<16xf32>,
    %get3A_111 = arith.constant 96 : index
    %get3A_112 = tpu.vector_load %arg5[%get3A_111] {strides = array<i32>} : memref<256xi32, #tpu.memory_space<vmem>>, vector<16xi32>,
    %get3A_113 = vector.shape_cast %get3A_112 : vector<16xi32> to vector<16xi32>
    %mul3A_114 = arith.constant 512 : i32
    %mul3A_115 = vector.broadcast %mul3A_114 : i32 to vector<16xi32>
    %mul3A_116 = arith.muli %get3A_113, %mul3A_115 : vector<16xi32>
    %get3A_117 = arith.constant 96 : index
    %get3A_118 = tpu.vector_load %arg4[%get3A_117] {strides = array<i32>} : memref<256xi32, #tpu.memory_space<vmem>>, vector<16xi32>,
    %get3A_119 = vector.shape_cast %get3A_118 : vector<16xi32> to vector<16xi32>
    %add3A_120 = arith.addi %mul3A_116, %get3A_119 : vector<16xi32>
    %swap3A_121 = arith.constant 96 : index
    %swap3A_122 = tpu.vector_load %arg6[%swap3A_121] {strides = array<i32>} : memref<272xi32, #tpu.memory_space<vmem>>, vector<16xi32>,
    %swap3A_123 = vector.shape_cast %swap3A_122 : vector<16xi32> to vector<16xi32>
    %swap3A_124 = vector.shape_cast %add3A_120 : vector<16xi32> to vector<16xi32>
    tpu.vector_store %arg6[%swap3A_121], %swap3A_124 {strides = array<i32>} : memref<272xi32, #tpu.memory_space<vmem>>, vector<16xi32>,
    %swap3A_125 = arith.constant 96 : index
    %swap3A_126 = tpu.vector_load %arg7[%swap3A_125] {strides = array<i32>} : memref<272xf32, #tpu.memory_space<vmem>>, vector<16xf32>,
    %swap3A_127 = vector.shape_cast %swap3A_126 : vector<16xf32> to vector<16xf32>
    %swap3A_128 = vector.shape_cast %broadcast_in_dim3A_4 : vector<16xf32> to vector<16xf32>
    tpu.vector_store %arg7[%swap3A_125], %swap3A_128 {strides = array<i32>} : memref<272xf32, #tpu.memory_space<vmem>>, vector<16xf32>,
    %get3A_129 = arith.constant 112 : index
    %get3A_130 = tpu.vector_load %arg5[%get3A_129] {strides = array<i32>} : memref<256xi32, #tpu.memory_space<vmem>>, vector<16xi32>,
    %get3A_131 = vector.shape_cast %get3A_130 : vector<16xi32> to vector<16xi32>
    %mul3A_132 = arith.constant 512 : i32
    %mul3A_133 = vector.broadcast %mul3A_132 : i32 to vector<16xi32>
    %mul3A_134 = arith.muli %get3A_131, %mul3A_133 : vector<16xi32>
    %get3A_135 = arith.constant 112 : index
    %get3A_136 = tpu.vector_load %arg4[%get3A_135] {strides = array<i32>} : memref<256xi32, #tpu.memory_space<vmem>>, vector<16xi32>,
    %get3A_137 = vector.shape_cast %get3A_136 : vector<16xi32> to vector<16xi32>
    %add3A_138 = arith.addi %mul3A_134, %get3A_137 : vector<16xi32>
    %swap3A_139 = arith.constant 112 : index
    %swap3A_140 = tpu.vector_load %arg6[%swap3A_139] {strides = array<i32>} : memref<272xi32, #tpu.memory_space<vmem>>, vector<16xi32>,
    %swap3A_141 = vector.shape_cast %swap3A_140 : vector<16xi32> to vector<16xi32>
    %swap3A_142 = vector.shape_cast %add3A_138 : vector<16xi32> to vector<16xi32>
    tpu.vector_store %arg6[%swap3A_139], %swap3A_142 {strides = array<i32>} : memref<272xi32, #tpu.memory_space<vmem>>, vector<16xi32>,
    %swap3A_143 = arith.constant 112 : index
    %swap3A_144 = tpu.vector_load %arg7[%swap3A_143] {strides = array<i32>} : memref<272xf32, #tpu.memory_space<vmem>>, vector<16xf32>,
    %swap3A_145 = vector.shape_cast %swap3A_144 : vector<16xf32> to vector<16xf32>
    %swap3A_146 = vector.shape_cast %broadcast_in_dim3A_4 : vector<16xf32> to vector<16xf32>
    tpu.vector_store %arg7[%swap3A_143], %swap3A_146 {strides = array<i32>} : memref<272xf32, #tpu.memory_space<vmem>>, vector<16xf32>,
    %get3A_147 = arith.constant 128 : index
    %get3A_148 = tpu.vector_load %arg5[%get3A_147] {strides = array<i32>} : memref<256xi32, #tpu.memory_space<vmem>>, vector<16xi32>,
    %get3A_149 = vector.shape_cast %get3A_148 : vector<16xi32> to vector<16xi32>
    %mul3A_150 = arith.constant 512 : i32
    %mul3A_151 = vector.broadcast %mul3A_150 : i32 to vector<16xi32>
    %mul3A_152 = arith.muli %get3A_149, %mul3A_151 : vector<16xi32>
    %get3A_153 = arith.constant 128 : index
    %get3A_154 = tpu.vector_load %arg4[%get3A_153] {strides = array<i32>} : memref<256xi32, #tpu.memory_space<vmem>>, vector<16xi32>,
    %get3A_155 = vector.shape_cast %get3A_154 : vector<16xi32> to vector<16xi32>
    %add3A_156 = arith.addi %mul3A_152, %get3A_155 : vector<16xi32>
    %swap3A_157 = arith.constant 128 : index
    %swap3A_158 = tpu.vector_load %arg6[%swap3A_157] {strides = array<i32>} : memref<272xi32, #tpu.memory_space<vmem>>, vector<16xi32>,
    %swap3A_159 = vector.shape_cast %swap3A_158 : vector<16xi32> to vector<16xi32>
    %swap3A_160 = vector.shape_cast %add3A_156 : vector<16xi32> to vector<16xi32>
    tpu.vector_store %arg6[%swap3A_157], %swap3A_160 {strides = array<i32>} : memref<272xi32, #tpu.memory_space<vmem>>, vector<16xi32>,
    %swap3A_161 = arith.constant 128 : index
    %swap3A_162 = tpu.vector_load %arg7[%swap3A_161] {strides = array<i32>} : memref<272xf32, #tpu.memory_space<vmem>>, vector<16xf32>,
    %swap3A_163 = vector.shape_cast %swap3A_162 : vector<16xf32> to vector<16xf32>
    %swap3A_164 = vector.shape_cast %broadcast_in_dim3A_4 : vector<16xf32> to vector<16xf32>
    tpu.vector_store %arg7[%swap3A_161], %swap3A_164 {strides = array<i32>} : memref<272xf32, #tpu.memory_space<vmem>>, vector<16xf32>,
    %get3A_165 = arith.constant 144 : index
    %get3A_166 = tpu.vector_load %arg5[%get3A_165] {strides = array<i32>} : memref<256xi32, #tpu.memory_space<vmem>>, vector<16xi32>,
    %get3A_167 = vector.shape_cast %get3A_166 : vector<16xi32> to vector<16xi32>
    %mul3A_168 = arith.constant 512 : i32
    %mul3A_169 = vector.broadcast %mul3A_168 : i32 to vector<16xi32>
    %mul3A_170 = arith.muli %get3A_167, %mul3A_169 : vector<16xi32>
    %get3A_171 = arith.constant 144 : index
    %get3A_172 = tpu.vector_load %arg4[%get3A_171] {strides = array<i32>} : memref<256xi32, #tpu.memory_space<vmem>>, vector<16xi32>,
    %get3A_173 = vector.shape_cast %get3A_172 : vector<16xi32> to vector<16xi32>
    %add3A_174 = arith.addi %mul3A_170, %get3A_173 : vector<16xi32>
    %swap3A_175 = arith.constant 144 : index
    %swap3A_176 = tpu.vector_load %arg6[%swap3A_175] {strides = array<i32>} : memref<272xi32, #tpu.memory_space<vmem>>, vector<16xi32>,
    %swap3A_177 = vector.shape_cast %swap3A_176 : vector<16xi32> to vector<16xi32>
    %swap3A_178 = vector.shape_cast %add3A_174 : vector<16xi32> to vector<16xi32>
    tpu.vector_store %arg6[%swap3A_175], %swap3A_178 {strides = array<i32>} : memref<272xi32, #tpu.memory_space<vmem>>, vector<16xi32>,
    %swap3A_179 = arith.constant 144 : index
    %swap3A_180 = tpu.vector_load %arg7[%swap3A_179] {strides = array<i32>} : memref<272xf32, #tpu.memory_space<vmem>>, vector<16xf32>,
    %swap3A_181 = vector.shape_cast %swap3A_180 : vector<16xf32> to vector<16xf32>
    %swap3A_182 = vector.shape_cast %broadcast_in_dim3A_4 : vector<16xf32> to vector<16xf32>
    tpu.vector_store %arg7[%swap3A_179], %swap3A_182 {strides = array<i32>} : memref<272xf32, #tpu.memory_space<vmem>>, vector<16xf32>,
    %get3A_183 = arith.constant 160 : index
    %get3A_184 = tpu.vector_load %arg5[%get3A_183] {strides = array<i32>} : memref<256xi32, #tpu.memory_space<vmem>>, vector<16xi32>,
    %get3A_185 = vector.shape_cast %get3A_184 : vector<16xi32> to vector<16xi32>
    %mul3A_186 = arith.constant 512 : i32
    %mul3A_187 = vector.broadcast %mul3A_186 : i32 to vector<16xi32>
    %mul3A_188 = arith.muli %get3A_185, %mul3A_187 : vector<16xi32>
    %get3A_189 = arith.constant 160 : index
    %get3A_190 = tpu.vector_load %arg4[%get3A_189] {strides = array<i32>} : memref<256xi32, #tpu.memory_space<vmem>>, vector<16xi32>,
    %get3A_191 = vector.shape_cast %get3A_190 : vector<16xi32> to vector<16xi32>
    %add3A_192 = arith.addi %mul3A_188, %get3A_191 : vector<16xi32>
    %swap3A_193 = arith.constant 160 : index
    %swap3A_194 = tpu.vector_load %arg6[%swap3A_193] {strides = array<i32>} : memref<272xi32, #tpu.memory_space<vmem>>, vector<16xi32>,
    %swap3A_195 = vector.shape_cast %swap3A_194 : vector<16xi32> to vector<16xi32>
    %swap3A_196 = vector.shape_cast %add3A_192 : vector<16xi32> to vector<16xi32>
    tpu.vector_store %arg6[%swap3A_193], %swap3A_196 {strides = array<i32>} : memref<272xi32, #tpu.memory_space<vmem>>, vector<16xi32>,
    %swap3A_197 = arith.constant 160 : index
    %swap3A_198 = tpu.vector_load %arg7[%swap3A_197] {strides = array<i32>} : memref<272xf32, #tpu.memory_space<vmem>>, vector<16xf32>,
    %swap3A_199 = vector.shape_cast %swap3A_198 : vector<16xf32> to vector<16xf32>
    %swap3A_200 = vector.shape_cast %broadcast_in_dim3A_4 : vector<16xf32> to vector<16xf32>
    tpu.vector_store %arg7[%swap3A_197], %swap3A_200 {strides = array<i32>} : memref<272xf32, #tpu.memory_space<vmem>>, vector<16xf32>,
    %get3A_201 = arith.constant 176 : index
    %get3A_202 = tpu.vector_load %arg5[%get3A_201] {strides = array<i32>} : memref<256xi32, #tpu.memory_space<vmem>>, vector<16xi32>,
    %get3A_203 = vector.shape_cast %get3A_202 : vector<16xi32> to vector<16xi32>
    %mul3A_204 = arith.constant 512 : i32
    %mul3A_205 = vector.broadcast %mul3A_204 : i32 to vector<16xi32>
    %mul3A_206 = arith.muli %get3A_203, %mul3A_205 : vector<16xi32>
    %get3A_207 = arith.constant 176 : index
    %get3A_208 = tpu.vector_load %arg4[%get3A_207] {strides = array<i32>} : memref<256xi32, #tpu.memory_space<vmem>>, vector<16xi32>,
    %get3A_209 = vector.shape_cast %get3A_208 : vector<16xi32> to vector<16xi32>
    %add3A_210 = arith.addi %mul3A_206, %get3A_209 : vector<16xi32>
    %swap3A_211 = arith.constant 176 : index
    %swap3A_212 = tpu.vector_load %arg6[%swap3A_211] {strides = array<i32>} : memref<272xi32, #tpu.memory_space<vmem>>, vector<16xi32>,
    %swap3A_213 = vector.shape_cast %swap3A_212 : vector<16xi32> to vector<16xi32>
    %swap3A_214 = vector.shape_cast %add3A_210 : vector<16xi32> to vector<16xi32>
    tpu.vector_store %arg6[%swap3A_211], %swap3A_214 {strides = array<i32>} : memref<272xi32, #tpu.memory_space<vmem>>, vector<16xi32>,
    %swap3A_215 = arith.constant 176 : index
    %swap3A_216 = tpu.vector_load %arg7[%swap3A_215] {strides = array<i32>} : memref<272xf32, #tpu.memory_space<vmem>>, vector<16xf32>,
    %swap3A_217 = vector.shape_cast %swap3A_216 : vector<16xf32> to vector<16xf32>
    %swap3A_218 = vector.shape_cast %broadcast_in_dim3A_4 : vector<16xf32> to vector<16xf32>
    tpu.vector_store %arg7[%swap3A_215], %swap3A_218 {strides = array<i32>} : memref<272xf32, #tpu.memory_space<vmem>>, vector<16xf32>,
    %get3A_219 = arith.constant 192 : index
    %get3A_220 = tpu.vector_load %arg5[%get3A_219] {strides = array<i32>} : memref<256xi32, #tpu.memory_space<vmem>>, vector<16xi32>,
    %get3A_221 = vector.shape_cast %get3A_220 : vector<16xi32> to vector<16xi32>
    %mul3A_222 = arith.constant 512 : i32
    %mul3A_223 = vector.broadcast %mul3A_222 : i32 to vector<16xi32>
    %mul3A_224 = arith.muli %get3A_221, %mul3A_223 : vector<16xi32>
    %get3A_225 = arith.constant 192 : index
    %get3A_226 = tpu.vector_load %arg4[%get3A_225] {strides = array<i32>} : memref<256xi32, #tpu.memory_space<vmem>>, vector<16xi32>,
    %get3A_227 = vector.shape_cast %get3A_226 : vector<16xi32> to vector<16xi32>
    %add3A_228 = arith.addi %mul3A_224, %get3A_227 : vector<16xi32>
    %swap3A_229 = arith.constant 192 : index
    %swap3A_230 = tpu.vector_load %arg6[%swap3A_229] {strides = array<i32>} : memref<272xi32, #tpu.memory_space<vmem>>, vector<16xi32>,
    %swap3A_231 = vector.shape_cast %swap3A_230 : vector<16xi32> to vector<16xi32>
    %swap3A_232 = vector.shape_cast %add3A_228 : vector<16xi32> to vector<16xi32>
    tpu.vector_store %arg6[%swap3A_229], %swap3A_232 {strides = array<i32>} : memref<272xi32, #tpu.memory_space<vmem>>, vector<16xi32>,
    %swap3A_233 = arith.constant 192 : index
    %swap3A_234 = tpu.vector_load %arg7[%swap3A_233] {strides = array<i32>} : memref<272xf32, #tpu.memory_space<vmem>>, vector<16xf32>,
    %swap3A_235 = vector.shape_cast %swap3A_234 : vector<16xf32> to vector<16xf32>
    %swap3A_236 = vector.shape_cast %broadcast_in_dim3A_4 : vector<16xf32> to vector<16xf32>
    tpu.vector_store %arg7[%swap3A_233], %swap3A_236 {strides = array<i32>} : memref<272xf32, #tpu.memory_space<vmem>>, vector<16xf32>,
    %get3A_237 = arith.constant 208 : index
    %get3A_238 = tpu.vector_load %arg5[%get3A_237] {strides = array<i32>} : memref<256xi32, #tpu.memory_space<vmem>>, vector<16xi32>,
    %get3A_239 = vector.shape_cast %get3A_238 : vector<16xi32> to vector<16xi32>
    %mul3A_240 = arith.constant 512 : i32
    %mul3A_241 = vector.broadcast %mul3A_240 : i32 to vector<16xi32>
    %mul3A_242 = arith.muli %get3A_239, %mul3A_241 : vector<16xi32>
    %get3A_243 = arith.constant 208 : index
    %get3A_244 = tpu.vector_load %arg4[%get3A_243] {strides = array<i32>} : memref<256xi32, #tpu.memory_space<vmem>>, vector<16xi32>,
    %get3A_245 = vector.shape_cast %get3A_244 : vector<16xi32> to vector<16xi32>
    %add3A_246 = arith.addi %mul3A_242, %get3A_245 : vector<16xi32>
    %swap3A_247 = arith.constant 208 : index
    %swap3A_248 = tpu.vector_load %arg6[%swap3A_247] {strides = array<i32>} : memref<272xi32, #tpu.memory_space<vmem>>, vector<16xi32>,
    %swap3A_249 = vector.shape_cast %swap3A_248 : vector<16xi32> to vector<16xi32>
    %swap3A_250 = vector.shape_cast %add3A_246 : vector<16xi32> to vector<16xi32>
    tpu.vector_store %arg6[%swap3A_247], %swap3A_250 {strides = array<i32>} : memref<272xi32, #tpu.memory_space<vmem>>, vector<16xi32>,
    %swap3A_251 = arith.constant 208 : index
    %swap3A_252 = tpu.vector_load %arg7[%swap3A_251] {strides = array<i32>} : memref<272xf32, #tpu.memory_space<vmem>>, vector<16xf32>,
    %swap3A_253 = vector.shape_cast %swap3A_252 : vector<16xf32> to vector<16xf32>
    %swap3A_254 = vector.shape_cast %broadcast_in_dim3A_4 : vector<16xf32> to vector<16xf32>
    tpu.vector_store %arg7[%swap3A_251], %swap3A_254 {strides = array<i32>} : memref<272xf32, #tpu.memory_space<vmem>>, vector<16xf32>,
    %get3A_255 = arith.constant 224 : index
    %get3A_256 = tpu.vector_load %arg5[%get3A_255] {strides = array<i32>} : memref<256xi32, #tpu.memory_space<vmem>>, vector<16xi32>,
    %get3A_257 = vector.shape_cast %get3A_256 : vector<16xi32> to vector<16xi32>
    %mul3A_258 = arith.constant 512 : i32
    %mul3A_259 = vector.broadcast %mul3A_258 : i32 to vector<16xi32>
    %mul3A_260 = arith.muli %get3A_257, %mul3A_259 : vector<16xi32>
    %get3A_261 = arith.constant 224 : index
    %get3A_262 = tpu.vector_load %arg4[%get3A_261] {strides = array<i32>} : memref<256xi32, #tpu.memory_space<vmem>>, vector<16xi32>,
    %get3A_263 = vector.shape_cast %get3A_262 : vector<16xi32> to vector<16xi32>
    %add3A_264 = arith.addi %mul3A_260, %get3A_263 : vector<16xi32>
    %swap3A_265 = arith.constant 224 : index
    %swap3A_266 = tpu.vector_load %arg6[%swap3A_265] {strides = array<i32>} : memref<272xi32, #tpu.memory_space<vmem>>, vector<16xi32>,
    %swap3A_267 = vector.shape_cast %swap3A_266 : vector<16xi32> to vector<16xi32>
    %swap3A_268 = vector.shape_cast %add3A_264 : vector<16xi32> to vector<16xi32>
    tpu.vector_store %arg6[%swap3A_265], %swap3A_268 {strides = array<i32>} : memref<272xi32, #tpu.memory_space<vmem>>, vector<16xi32>,
    %swap3A_269 = arith.constant 224 : index
    %swap3A_270 = tpu.vector_load %arg7[%swap3A_269] {strides = array<i32>} : memref<272xf32, #tpu.memory_space<vmem>>, vector<16xf32>,
    %swap3A_271 = vector.shape_cast %swap3A_270 : vector<16xf32> to vector<16xf32>
    %swap3A_272 = vector.shape_cast %broadcast_in_dim3A_4 : vector<16xf32> to vector<16xf32>
    tpu.vector_store %arg7[%swap3A_269], %swap3A_272 {strides = array<i32>} : memref<272xf32, #tpu.memory_space<vmem>>, vector<16xf32>,
    %get3A_273 = arith.constant 240 : index
    %get3A_274 = tpu.vector_load %arg5[%get3A_273] {strides = array<i32>} : memref<256xi32, #tpu.memory_space<vmem>>, vector<16xi32>,
    %get3A_275 = vector.shape_cast %get3A_274 : vector<16xi32> to vector<16xi32>
    %mul3A_276 = arith.constant 512 : i32
    %mul3A_277 = vector.broadcast %mul3A_276 : i32 to vector<16xi32>
    %mul3A_278 = arith.muli %get3A_275, %mul3A_277 : vector<16xi32>
    %get3A_279 = arith.constant 240 : index
    %get3A_280 = tpu.vector_load %arg4[%get3A_279] {strides = array<i32>} : memref<256xi32, #tpu.memory_space<vmem>>, vector<16xi32>,
    %get3A_281 = vector.shape_cast %get3A_280 : vector<16xi32> to vector<16xi32>
    %add3A_282 = arith.addi %mul3A_278, %get3A_281 : vector<16xi32>
    %swap3A_283 = arith.constant 240 : index
    %swap3A_284 = tpu.vector_load %arg6[%swap3A_283] {strides = array<i32>} : memref<272xi32, #tpu.memory_space<vmem>>, vector<16xi32>,
    %swap3A_285 = vector.shape_cast %swap3A_284 : vector<16xi32> to vector<16xi32>
    %swap3A_286 = vector.shape_cast %add3A_282 : vector<16xi32> to vector<16xi32>
    tpu.vector_store %arg6[%swap3A_283], %swap3A_286 {strides = array<i32>} : memref<272xi32, #tpu.memory_space<vmem>>, vector<16xi32>,
    %swap3A_287 = arith.constant 240 : index
    %swap3A_288 = tpu.vector_load %arg7[%swap3A_287] {strides = array<i32>} : memref<272xf32, #tpu.memory_space<vmem>>, vector<16xf32>,
    %swap3A_289 = vector.shape_cast %swap3A_288 : vector<16xf32> to vector<16xf32>
    %swap3A_290 = vector.shape_cast %broadcast_in_dim3A_4 : vector<16xf32> to vector<16xf32>
    tpu.vector_store %arg7[%swap3A_287], %swap3A_290 {strides = array<i32>} : memref<272xf32, #tpu.memory_space<vmem>>, vector<16xf32>,
    %iota3A = tpu.iota {dimensions = array<i32: 0>} : vector<16xi32>
    %mul3A_291 = arith.constant 16 : i32
    %mul3A_292 = arith.muli %add3A, %mul3A_291 : i32
    %add3A_293 = vector.broadcast %mul3A_292 : i32 to vector<16xi32>
    %add3A_294 = arith.addi %iota3A, %add3A_293 : vector<16xi32>
    %mul3A_295 = arith.constant 513 : i32
    %mul3A_296 = vector.broadcast %mul3A_295 : i32 to vector<16xi32>
    %mul3A_297 = arith.muli %add3A_294, %mul3A_296 : vector<16xi32>
    %swap3A_298 = arith.constant 256 : index
    %swap3A_299 = tpu.vector_load %arg6[%swap3A_298] {strides = array<i32>} : memref<272xi32, #tpu.memory_space<vmem>>, vector<16xi32>,
    %swap3A_300 = vector.shape_cast %swap3A_299 : vector<16xi32> to vector<16xi32>
    %swap3A_301 = vector.shape_cast %mul3A_297 : vector<16xi32> to vector<16xi32>
    tpu.vector_store %arg6[%swap3A_298], %swap3A_301 {strides = array<i32>} : memref<272xi32, #tpu.memory_space<vmem>>, vector<16xi32>,
    %swap3A_302 = arith.constant 256 : index
    %swap3A_303 = tpu.vector_load %arg7[%swap3A_302] {strides = array<i32>} : memref<272xf32, #tpu.memory_space<vmem>>, vector<16xf32>,
    %swap3A_304 = vector.shape_cast %swap3A_303 : vector<16xf32> to vector<16xf32>
    %swap3A_305 = vector.shape_cast %broadcast_in_dim3A_4 : vector<16xf32> to vector<16xf32>
    tpu.vector_store %arg7[%swap3A_302], %swap3A_305 {strides = array<i32>} : memref<272xf32, #tpu.memory_space<vmem>>, vector<16xf32>,
    %broadcast_in_dim3A_306 = arith.constant 0.000000e+00 : f32
    %broadcast_in_dim3A_307 = vector.broadcast %broadcast_in_dim3A_306 : f32 to vector<16xf32>
    %scan3A = arith.constant 0 : i32
    %scan3A_308 = arith.constant 0 : i32
    %scan3A_309 = arith.constant 128 : i32
    %scan3A_310 = arith.addi %scan3A_308, %scan3A_309 : i32
    %scan3A_311 = arith.constant 1 : i32
    scf.for %scan3A_320 = %scan3A_308 to %scan3A_310 step %scan3A_311  : i32 {
      %mul3A_321 = arith.constant 128 : i32
      %mul3A_322 = arith.muli %scan3A_320, %mul3A_321 : i32
      %add3A_323 = arith.constant 0 : i32
      %add3A_324 = arith.addi %mul3A_322, %add3A_323 : i32
      %swap3A_325 = arith.index_cast %add3A_324 : i32 to index
      %swap3A_326 = tpu.vector_load %arg8[%swap3A_325] {strides = array<i32>} : memref<16384xf32, #tpu.memory_space<vmem>>, vector<16xf32>,
      %swap3A_327 = vector.shape_cast %swap3A_326 : vector<16xf32> to vector<16xf32>
      %swap3A_328 = vector.shape_cast %broadcast_in_dim3A_307 : vector<16xf32> to vector<16xf32>
      tpu.vector_store %arg8[%swap3A_325], %swap3A_328 {strides = array<i32>} : memref<16384xf32, #tpu.memory_space<vmem>>, vector<16xf32>,
      %mul3A_329 = arith.constant 128 : i32
      %mul3A_330 = arith.muli %scan3A_320, %mul3A_329 : i32
      %add3A_331 = arith.constant 16 : i32
      %add3A_332 = arith.addi %mul3A_330, %add3A_331 : i32
      %swap3A_333 = arith.index_cast %add3A_332 : i32 to index
      %swap3A_334 = tpu.vector_load %arg8[%swap3A_333] {strides = array<i32>} : memref<16384xf32, #tpu.memory_space<vmem>>, vector<16xf32>,
      %swap3A_335 = vector.shape_cast %swap3A_334 : vector<16xf32> to vector<16xf32>
      %swap3A_336 = vector.shape_cast %broadcast_in_dim3A_307 : vector<16xf32> to vector<16xf32>
      tpu.vector_store %arg8[%swap3A_333], %swap3A_336 {strides = array<i32>} : memref<16384xf32, #tpu.memory_space<vmem>>, vector<16xf32>,
      %mul3A_337 = arith.constant 128 : i32
      %mul3A_338 = arith.muli %scan3A_320, %mul3A_337 : i32
      %add3A_339 = arith.constant 32 : i32
      %add3A_340 = arith.addi %mul3A_338, %add3A_339 : i32
      %swap3A_341 = arith.index_cast %add3A_340 : i32 to index
      %swap3A_342 = tpu.vector_load %arg8[%swap3A_341] {strides = array<i32>} : memref<16384xf32, #tpu.memory_space<vmem>>, vector<16xf32>,
      %swap3A_343 = vector.shape_cast %swap3A_342 : vector<16xf32> to vector<16xf32>
      %swap3A_344 = vector.shape_cast %broadcast_in_dim3A_307 : vector<16xf32> to vector<16xf32>
      tpu.vector_store %arg8[%swap3A_341], %swap3A_344 {strides = array<i32>} : memref<16384xf32, #tpu.memory_space<vmem>>, vector<16xf32>,
      %mul3A_345 = arith.constant 128 : i32
      %mul3A_346 = arith.muli %scan3A_320, %mul3A_345 : i32
      %add3A_347 = arith.constant 48 : i32
      %add3A_348 = arith.addi %mul3A_346, %add3A_347 : i32
      %swap3A_349 = arith.index_cast %add3A_348 : i32 to index
      %swap3A_350 = tpu.vector_load %arg8[%swap3A_349] {strides = array<i32>} : memref<16384xf32, #tpu.memory_space<vmem>>, vector<16xf32>,
      %swap3A_351 = vector.shape_cast %swap3A_350 : vector<16xf32> to vector<16xf32>
      %swap3A_352 = vector.shape_cast %broadcast_in_dim3A_307 : vector<16xf32> to vector<16xf32>
      tpu.vector_store %arg8[%swap3A_349], %swap3A_352 {strides = array<i32>} : memref<16384xf32, #tpu.memory_space<vmem>>, vector<16xf32>,
      %mul3A_353 = arith.constant 128 : i32
      %mul3A_354 = arith.muli %scan3A_320, %mul3A_353 : i32
      %add3A_355 = arith.constant 64 : i32
      %add3A_356 = arith.addi %mul3A_354, %add3A_355 : i32
      %swap3A_357 = arith.index_cast %add3A_356 : i32 to index
      %swap3A_358 = tpu.vector_load %arg8[%swap3A_357] {strides = array<i32>} : memref<16384xf32, #tpu.memory_space<vmem>>, vector<16xf32>,
      %swap3A_359 = vector.shape_cast %swap3A_358 : vector<16xf32> to vector<16xf32>
      %swap3A_360 = vector.shape_cast %broadcast_in_dim3A_307 : vector<16xf32> to vector<16xf32>
      tpu.vector_store %arg8[%swap3A_357], %swap3A_360 {strides = array<i32>} : memref<16384xf32, #tpu.memory_space<vmem>>, vector<16xf32>,
      %mul3A_361 = arith.constant 128 : i32
      %mul3A_362 = arith.muli %scan3A_320, %mul3A_361 : i32
      %add3A_363 = arith.constant 80 : i32
      %add3A_364 = arith.addi %mul3A_362, %add3A_363 : i32
      %swap3A_365 = arith.index_cast %add3A_364 : i32 to index
      %swap3A_366 = tpu.vector_load %arg8[%swap3A_365] {strides = array<i32>} : memref<16384xf32, #tpu.memory_space<vmem>>, vector<16xf32>,
      %swap3A_367 = vector.shape_cast %swap3A_366 : vector<16xf32> to vector<16xf32>
      %swap3A_368 = vector.shape_cast %broadcast_in_dim3A_307 : vector<16xf32> to vector<16xf32>
      tpu.vector_store %arg8[%swap3A_365], %swap3A_368 {strides = array<i32>} : memref<16384xf32, #tpu.memory_space<vmem>>, vector<16xf32>,
      %mul3A_369 = arith.constant 128 : i32
      %mul3A_370 = arith.muli %scan3A_320, %mul3A_369 : i32
      %add3A_371 = arith.constant 96 : i32
      %add3A_372 = arith.addi %mul3A_370, %add3A_371 : i32
      %swap3A_373 = arith.index_cast %add3A_372 : i32 to index
      %swap3A_374 = tpu.vector_load %arg8[%swap3A_373] {strides = array<i32>} : memref<16384xf32, #tpu.memory_space<vmem>>, vector<16xf32>,
      %swap3A_375 = vector.shape_cast %swap3A_374 : vector<16xf32> to vector<16xf32>
      %swap3A_376 = vector.shape_cast %broadcast_in_dim3A_307 : vector<16xf32> to vector<16xf32>
      tpu.vector_store %arg8[%swap3A_373], %swap3A_376 {strides = array<i32>} : memref<16384xf32, #tpu.memory_space<vmem>>, vector<16xf32>,
      %mul3A_377 = arith.constant 128 : i32
      %mul3A_378 = arith.muli %scan3A_320, %mul3A_377 : i32
      %add3A_379 = arith.constant 112 : i32
      %add3A_380 = arith.addi %mul3A_378, %add3A_379 : i32
      %swap3A_381 = arith.index_cast %add3A_380 : i32 to index
      %swap3A_382 = tpu.vector_load %arg8[%swap3A_381] {strides = array<i32>} : memref<16384xf32, #tpu.memory_space<vmem>>, vector<16xf32>,
      %swap3A_383 = vector.shape_cast %swap3A_382 : vector<16xf32> to vector<16xf32>
      %swap3A_384 = vector.shape_cast %broadcast_in_dim3A_307 : vector<16xf32> to vector<16xf32>
      tpu.vector_store %arg8[%swap3A_381], %swap3A_384 {strides = array<i32>} : memref<16384xf32, #tpu.memory_space<vmem>>, vector<16xf32>,
    }
    %scan3A_312 = arith.constant 128 : i32
    %mul3A_313 = arith.constant 16384 : i32
    %mul3A_314 = arith.muli %arg1, %mul3A_313 : i32
    "tpu.region"() ({
      %run_scoped3A_320 = tpu.sem_alloc : memref<!tpu.dma_semaphore, #tpu.memory_space<semaphore_mem>>
      %dma_start3A = tpu.memref_slice %arg9[%mul3A_314] : memref<262144xf32, #tpu.memory_space<vmem_shared>> -> memref<16384xf32, #tpu.memory_space<vmem_shared>>
      %dma_start3A_321 = tpu.memref_slice %arg9[%mul3A_314] : memref<262144xf32, #tpu.memory_space<vmem_shared>> -> memref<16384xf32, #tpu.memory_space<vmem_shared>>
      tpu.enqueue_dma source(%arg8 : memref<16384xf32, #tpu.memory_space<vmem>>) target(%dma_start3A_321 : memref<16384xf32, #tpu.memory_space<vmem_shared>>) target_semaphore(%run_scoped3A_320 : memref<!tpu.dma_semaphore, #tpu.memory_space<semaphore_mem>>)
      %dma_wait3A = tpu.memref_slice %arg9[%mul3A_314] : memref<262144xf32, #tpu.memory_space<vmem_shared>> -> memref<16384xf32, #tpu.memory_space<vmem_shared>>
      %dma_wait3A_322 = tpu.memref_slice %arg9[%mul3A_314] : memref<262144xf32, #tpu.memory_space<vmem_shared>> -> memref<16384xf32, #tpu.memory_space<vmem_shared>>
      tpu.wait_dma2 semaphore(%run_scoped3A_320 : memref<!tpu.dma_semaphore, #tpu.memory_space<semaphore_mem>>) src(%arg8 : memref<16384xf32, #tpu.memory_space<vmem>>) dst(%dma_wait3A_322 : memref<16384xf32, #tpu.memory_space<vmem_shared>>)
      tpu.yield
    }) : () -> ()
    %barrier3A = arith.constant 0 : index
    tpu.barrier barrier_id(%barrier3A)
    "tpu.region"() ({
      %run_scoped3A_320 = tpu.sem_alloc : memref<!tpu.dma_semaphore, #tpu.memory_space<semaphore_mem>>
      %dma_start3A = arith.constant 0 : i32
      %dma_start3A_321 = tpu.memref_slice %arg9[%dma_start3A] : memref<262144xf32, #tpu.memory_space<vmem_shared>> -> memref<262144xf32, #tpu.memory_space<vmem_shared>>
      tpu.enqueue_indirect_dma source(%arg7 : memref<272xf32, #tpu.memory_space<vmem>>) target(%dma_start3A_321 : memref<262144xf32, #tpu.memory_space<vmem_shared>>) offsets(%arg6 : memref<272xi32, #tpu.memory_space<vmem>>) semaphore(%run_scoped3A_320 : memref<!tpu.dma_semaphore, #tpu.memory_space<semaphore_mem>>) {add = true}
      %dma_wait3A = arith.constant 0 : i32
      %dma_wait3A_322 = tpu.memref_slice %arg9[%dma_wait3A] : memref<262144xf32, #tpu.memory_space<vmem_shared>> -> memref<262144xf32, #tpu.memory_space<vmem_shared>>
      tpu.wait_indirect_dma semaphore(%run_scoped3A_320 : memref<!tpu.dma_semaphore, #tpu.memory_space<semaphore_mem>>) src(%arg7 : memref<272xf32, #tpu.memory_space<vmem>>) dst(%dma_wait3A_322 : memref<262144xf32, #tpu.memory_space<vmem_shared>>)
      tpu.yield
    }) : () -> ()
    %barrier3A_315 = arith.constant 0 : index
    tpu.barrier barrier_id(%barrier3A_315)
    %mul3A_316 = arith.constant 16384 : i32
    %mul3A_317 = arith.muli %arg1, %mul3A_316 : i32
    %mul3A_318 = arith.constant 16384 : i32
    %mul3A_319 = arith.muli %arg1, %mul3A_318 : i32
    "tpu.region"() ({
      %run_scoped3A_320 = tpu.sem_alloc : memref<!tpu.dma_semaphore, #tpu.memory_space<semaphore_mem>>
      %dma_start3A = tpu.memref_slice %arg3[%arg0, %mul3A_319] : memref<2x262144xf32, #tpu.memory_space<hbm>> -> memref<1x16384xf32, #tpu.memory_space<hbm>>
      %dma_start3A_321 = tpu.memref_squeeze %dma_start3A : memref<1x16384xf32, #tpu.memory_space<hbm>> -> memref<16384xf32, #tpu.memory_space<hbm>>
      %dma_start3A_322 = tpu.memref_slice %arg9[%mul3A_317] : memref<262144xf32, #tpu.memory_space<vmem_shared>> -> memref<16384xf32, #tpu.memory_space<vmem_shared>>
      tpu.enqueue_dma source(%dma_start3A_322 : memref<16384xf32, #tpu.memory_space<vmem_shared>>) target(%dma_start3A_321 : memref<16384xf32, #tpu.memory_space<hbm>>) target_semaphore(%run_scoped3A_320 : memref<!tpu.dma_semaphore, #tpu.memory_space<semaphore_mem>>)
      %dma_wait3A = tpu.memref_slice %arg3[%arg0, %mul3A_319] : memref<2x262144xf32, #tpu.memory_space<hbm>> -> memref<1x16384xf32, #tpu.memory_space<hbm>>
      %dma_wait3A_323 = tpu.memref_squeeze %dma_wait3A : memref<1x16384xf32, #tpu.memory_space<hbm>> -> memref<16384xf32, #tpu.memory_space<hbm>>
      %dma_wait3A_324 = tpu.memref_slice %arg9[%mul3A_317] : memref<262144xf32, #tpu.memory_space<vmem_shared>> -> memref<16384xf32, #tpu.memory_space<vmem_shared>>
      tpu.wait_dma2 semaphore(%run_scoped3A_320 : memref<!tpu.dma_semaphore, #tpu.memory_space<semaphore_mem>>) src(%dma_wait3A_324 : memref<16384xf32, #tpu.memory_space<vmem_shared>>) dst(%dma_wait3A_323 : memref<16384xf32, #tpu.memory_space<hbm>>)
      tpu.yield
    }) : () -> ()
    return
  }
}

module attributes {stable_mosaic.version = 14 : i64} {
  func.func @_gat_kernel(%arg0: i32, %arg1: memref<1x512x256xf32, #tpu.memory_space<vmem>>, %arg2: memref<512x512xf32, #tpu.memory_space<vmem>>, %arg3: memref<256x256xf32, #tpu.memory_space<vmem>>, %arg4: memref<256x4xf32, #tpu.memory_space<vmem>>, %arg5: memref<256x4xf32, #tpu.memory_space<vmem>>, %arg6: memref<1x256xf32, #tpu.memory_space<vmem>>, %arg7: memref<1x512x256xf32, #tpu.memory_space<vmem>>) attributes {dimension_semantics = [#tpu.dimension_semantics<arbitrary>], iteration_bounds = array<i64: 32>, scalar_prefetch = 0 : i64, scratch_operands = 0 : i64, tpu.core_type = #tpu.core_type<tc>, window_params = [{transform_indices = @transform_0, window_bounds = array<i64: 1, 512, 256>}, {pipeline_mode = #tpu.pipeline_mode<synchronous>, transform_indices = @transform_1, window_bounds = array<i64: 512, 512>}, {pipeline_mode = #tpu.pipeline_mode<synchronous>, transform_indices = @transform_2, window_bounds = array<i64: 256, 256>}, {pipeline_mode = #tpu.pipeline_mode<synchronous>, transform_indices = @transform_3, window_bounds = array<i64: 256, 4>}, {pipeline_mode = #tpu.pipeline_mode<synchronous>, transform_indices = @transform_4, window_bounds = array<i64: 256, 4>}, {pipeline_mode = #tpu.pipeline_mode<synchronous>, transform_indices = @transform_5, window_bounds = array<i64: 1, 256>}, {transform_indices = @transform_6, window_bounds = array<i64: 1, 512, 256>}]} {
    %get3A = arith.constant 0 : index
    %get3A_0 = arith.constant 0 : index
    %get3A_1 = arith.constant 0 : index
    %get3A_2 = vector.load %arg1[%get3A, %get3A_0, %get3A_1] : memref<1x512x256xf32, #tpu.memory_space<vmem>>, vector<1x512x256xf32>
    %get3A_3 = vector.shape_cast %get3A_2 : vector<1x512x256xf32> to vector<512x256xf32>
    %get3A_4 = arith.constant 0 : index
    %get3A_5 = arith.constant 0 : index
    %get3A_6 = vector.load %arg3[%get3A_4, %get3A_5] : memref<256x256xf32, #tpu.memory_space<vmem>>, vector<256x256xf32>
    %dot_general3A = arith.constant dense<0.000000e+00> : vector<512x256xf32>
    %dot_general3A_7 = tpu.matmul %get3A_3, %get3A_6, %dot_general3A {dimension_numbers = #tpu.dot_dimension_numbers<[1], [0], [0], [1], [0, 0, 1, 1], [], []>, transpose_lhs_hint = false} : vector<512x256xf32>, vector<256x256xf32>, vector<512x256xf32> -> vector<512x256xf32>
    %get3A_8 = arith.constant 0 : index
    %get3A_9 = arith.constant 0 : index
    %get3A_10 = vector.load %arg4[%get3A_8, %get3A_9] : memref<256x4xf32, #tpu.memory_space<vmem>>, vector<256x4xf32>
    %dot_general3A_11 = arith.constant dense<0.000000e+00> : vector<512x4xf32>
    %dot_general3A_12 = tpu.matmul %dot_general3A_7, %get3A_10, %dot_general3A_11 {dimension_numbers = #tpu.dot_dimension_numbers<[1], [0], [0], [1], [0, 0, 1, 1], [], []>, precision = #tpu.contract_precision<fp32>, transpose_lhs_hint = false} : vector<512x256xf32>, vector<256x4xf32>, vector<512x4xf32> -> vector<512x4xf32>
    %get3A_13 = arith.constant 0 : index
    %get3A_14 = arith.constant 0 : index
    %get3A_15 = vector.load %arg5[%get3A_13, %get3A_14] : memref<256x4xf32, #tpu.memory_space<vmem>>, vector<256x4xf32>
    %dot_general3A_16 = arith.constant dense<0.000000e+00> : vector<512x4xf32>
    %dot_general3A_17 = tpu.matmul %dot_general3A_7, %get3A_15, %dot_general3A_16 {dimension_numbers = #tpu.dot_dimension_numbers<[1], [0], [0], [1], [0, 0, 1, 1], [], []>, precision = #tpu.contract_precision<fp32>, transpose_lhs_hint = false} : vector<512x256xf32>, vector<256x4xf32>, vector<512x4xf32> -> vector<512x4xf32>
    %transpose3A = tpu.transpose %dot_general3A_12, [1, 0] : vector<512x4xf32> -> vector<4x512xf32>
    %get3A_18 = arith.constant 0 : index
    %get3A_19 = arith.constant 0 : index
    %get3A_20 = vector.load %arg2[%get3A_18, %get3A_19] : memref<512x512xf32, #tpu.memory_space<vmem>>, vector<512x512xf32>
    %convert_element_type3A = arith.truncf %dot_general3A_7 : vector<512x256xf32> to vector<512x256xbf16>
    %convert_element_type3A_21 = arith.extf %convert_element_type3A : vector<512x256xbf16> to vector<512x256xf32>
    %sub3A = arith.subf %dot_general3A_7, %convert_element_type3A_21 : vector<512x256xf32>
    %convert_element_type3A_22 = arith.truncf %sub3A : vector<512x256xf32> to vector<512x256xbf16>
    %slice3A = vector.extract_strided_slice %dot_general3A_17 {offsets = [0, 0], sizes = [512, 1], strides = [1, 1]} : vector<512x4xf32> to vector<512x1xf32>
    %slice3A_23 = vector.extract_strided_slice %transpose3A {offsets = [0, 0], sizes = [1, 512], strides = [1, 1]} : vector<4x512xf32> to vector<1x512xf32>
    %add3A = vector.broadcast %slice3A : vector<512x1xf32> to vector<512x512xf32>
    %add3A_24 = vector.broadcast %slice3A_23 : vector<1x512xf32> to vector<512x512xf32>
    %add3A_25 = arith.addf %add3A, %add3A_24 : vector<512x512xf32>
    %ge3A = arith.constant 0.000000e+00 : f32
    %ge3A_26 = vector.broadcast %ge3A : f32 to vector<512x512xf32>
    %ge3A_27 = arith.cmpf oge, %add3A_25, %ge3A_26 : vector<512x512xf32>
    %min3A = arith.constant 6.000000e+01 : f32
    %min3A_28 = vector.broadcast %min3A : f32 to vector<512x512xf32>
    %min3A_29 = arith.minimumf %add3A_25, %min3A_28 : vector<512x512xf32>
    %mul3A = arith.constant 2.000000e-01 : f32
    %mul3A_30 = vector.broadcast %mul3A : f32 to vector<512x512xf32>
    %mul3A_31 = arith.mulf %mul3A_30, %add3A_25 : vector<512x512xf32>
    %select_n3A = arith.select %ge3A_27, %min3A_29, %mul3A_31 : vector<512x512xi1>, vector<512x512xf32>
    %exp3A = math.exp %select_n3A : vector<512x512xf32>
    %mul3A_32 = arith.mulf %exp3A, %get3A_20 : vector<512x512xf32>
    %reduce_sum3A = arith.constant dense<0.000000e+00> : vector<512xf32>
    %reduce_sum3A_33 = vector.multi_reduction <add>, %mul3A_32, %reduce_sum3A [1] : vector<512x512xf32> to vector<512xf32>
    %broadcast_in_dim3A = vector.shape_cast %reduce_sum3A_33 : vector<512xf32> to vector<512x1xf32>
    %add3A_34 = arith.constant 1.000000e-16 : f32
    %add3A_35 = vector.broadcast %add3A_34 : f32 to vector<512x1xf32>
    %add3A_36 = arith.addf %broadcast_in_dim3A, %add3A_35 : vector<512x1xf32>
    %div3A = arith.constant 1.000000e+00 : f32
    %div3A_37 = vector.broadcast %div3A : f32 to vector<512x1xf32>
    %div3A_38 = arith.divf %div3A_37, %add3A_36 : vector<512x1xf32>
    %convert_element_type3A_39 = arith.truncf %mul3A_32 : vector<512x512xf32> to vector<512x512xbf16>
    %convert_element_type3A_40 = arith.extf %convert_element_type3A_39 : vector<512x512xbf16> to vector<512x512xf32>
    %sub3A_41 = arith.subf %mul3A_32, %convert_element_type3A_40 : vector<512x512xf32>
    %convert_element_type3A_42 = arith.truncf %sub3A_41 : vector<512x512xf32> to vector<512x512xbf16>
    %slice3A_43 = vector.extract_strided_slice %convert_element_type3A {offsets = [0, 0], sizes = [512, 64], strides = [1, 1]} : vector<512x256xbf16> to vector<512x64xbf16>
    %slice3A_44 = vector.extract_strided_slice %convert_element_type3A_22 {offsets = [0, 0], sizes = [512, 64], strides = [1, 1]} : vector<512x256xbf16> to vector<512x64xbf16>
    %dot_general3A_45 = arith.constant dense<0.000000e+00> : vector<512x64xf32>
    %dot_general3A_46 = tpu.matmul %convert_element_type3A_39, %slice3A_43, %dot_general3A_45 {dimension_numbers = #tpu.dot_dimension_numbers<[1], [0], [0], [1], [0, 0, 1, 1], [], []>, transpose_lhs_hint = false} : vector<512x512xbf16>, vector<512x64xbf16>, vector<512x64xf32> -> vector<512x64xf32>
    %dot_general3A_47 = arith.constant dense<0.000000e+00> : vector<512x64xf32>
    %dot_general3A_48 = tpu.matmul %convert_element_type3A_39, %slice3A_44, %dot_general3A_47 {dimension_numbers = #tpu.dot_dimension_numbers<[1], [0], [0], [1], [0, 0, 1, 1], [], []>, transpose_lhs_hint = false} : vector<512x512xbf16>, vector<512x64xbf16>, vector<512x64xf32> -> vector<512x64xf32>
    %dot_general3A_49 = arith.constant dense<0.000000e+00> : vector<512x64xf32>
    %dot_general3A_50 = tpu.matmul %convert_element_type3A_42, %slice3A_43, %dot_general3A_49 {dimension_numbers = #tpu.dot_dimension_numbers<[1], [0], [0], [1], [0, 0, 1, 1], [], []>, transpose_lhs_hint = false} : vector<512x512xbf16>, vector<512x64xbf16>, vector<512x64xf32> -> vector<512x64xf32>
    %add3A_51 = arith.addf %dot_general3A_48, %dot_general3A_50 : vector<512x64xf32>
    %add3A_52 = arith.addf %dot_general3A_46, %add3A_51 : vector<512x64xf32>
    %mul3A_53 = vector.broadcast %div3A_38 : vector<512x1xf32> to vector<512x64xf32>
    %mul3A_54 = arith.mulf %add3A_52, %mul3A_53 : vector<512x64xf32>
    %slice3A_55 = vector.extract_strided_slice %dot_general3A_17 {offsets = [0, 1], sizes = [512, 1], strides = [1, 1]} : vector<512x4xf32> to vector<512x1xf32>
    %slice3A_56 = vector.extract_strided_slice %transpose3A {offsets = [1, 0], sizes = [1, 512], strides = [1, 1]} : vector<4x512xf32> to vector<1x512xf32>
    %add3A_57 = vector.broadcast %slice3A_55 : vector<512x1xf32> to vector<512x512xf32>
    %add3A_58 = vector.broadcast %slice3A_56 : vector<1x512xf32> to vector<512x512xf32>
    %add3A_59 = arith.addf %add3A_57, %add3A_58 : vector<512x512xf32>
    %ge3A_60 = arith.constant 0.000000e+00 : f32
    %ge3A_61 = vector.broadcast %ge3A_60 : f32 to vector<512x512xf32>
    %ge3A_62 = arith.cmpf oge, %add3A_59, %ge3A_61 : vector<512x512xf32>
    %min3A_63 = arith.constant 6.000000e+01 : f32
    %min3A_64 = vector.broadcast %min3A_63 : f32 to vector<512x512xf32>
    %min3A_65 = arith.minimumf %add3A_59, %min3A_64 : vector<512x512xf32>
    %mul3A_66 = arith.constant 2.000000e-01 : f32
    %mul3A_67 = vector.broadcast %mul3A_66 : f32 to vector<512x512xf32>
    %mul3A_68 = arith.mulf %mul3A_67, %add3A_59 : vector<512x512xf32>
    %select_n3A_69 = arith.select %ge3A_62, %min3A_65, %mul3A_68 : vector<512x512xi1>, vector<512x512xf32>
    %exp3A_70 = math.exp %select_n3A_69 : vector<512x512xf32>
    %mul3A_71 = arith.mulf %exp3A_70, %get3A_20 : vector<512x512xf32>
    %reduce_sum3A_72 = arith.constant dense<0.000000e+00> : vector<512xf32>
    %reduce_sum3A_73 = vector.multi_reduction <add>, %mul3A_71, %reduce_sum3A_72 [1] : vector<512x512xf32> to vector<512xf32>
    %broadcast_in_dim3A_74 = vector.shape_cast %reduce_sum3A_73 : vector<512xf32> to vector<512x1xf32>
    %add3A_75 = arith.constant 1.000000e-16 : f32
    %add3A_76 = vector.broadcast %add3A_75 : f32 to vector<512x1xf32>
    %add3A_77 = arith.addf %broadcast_in_dim3A_74, %add3A_76 : vector<512x1xf32>
    %div3A_78 = arith.constant 1.000000e+00 : f32
    %div3A_79 = vector.broadcast %div3A_78 : f32 to vector<512x1xf32>
    %div3A_80 = arith.divf %div3A_79, %add3A_77 : vector<512x1xf32>
    %convert_element_type3A_81 = arith.truncf %mul3A_71 : vector<512x512xf32> to vector<512x512xbf16>
    %convert_element_type3A_82 = arith.extf %convert_element_type3A_81 : vector<512x512xbf16> to vector<512x512xf32>
    %sub3A_83 = arith.subf %mul3A_71, %convert_element_type3A_82 : vector<512x512xf32>
    %convert_element_type3A_84 = arith.truncf %sub3A_83 : vector<512x512xf32> to vector<512x512xbf16>
    %slice3A_85 = vector.extract_strided_slice %convert_element_type3A {offsets = [0, 64], sizes = [512, 64], strides = [1, 1]} : vector<512x256xbf16> to vector<512x64xbf16>
    %slice3A_86 = vector.extract_strided_slice %convert_element_type3A_22 {offsets = [0, 64], sizes = [512, 64], strides = [1, 1]} : vector<512x256xbf16> to vector<512x64xbf16>
    %dot_general3A_87 = arith.constant dense<0.000000e+00> : vector<512x64xf32>
    %dot_general3A_88 = tpu.matmul %convert_element_type3A_81, %slice3A_85, %dot_general3A_87 {dimension_numbers = #tpu.dot_dimension_numbers<[1], [0], [0], [1], [0, 0, 1, 1], [], []>, transpose_lhs_hint = false} : vector<512x512xbf16>, vector<512x64xbf16>, vector<512x64xf32> -> vector<512x64xf32>
    %dot_general3A_89 = arith.constant dense<0.000000e+00> : vector<512x64xf32>
    %dot_general3A_90 = tpu.matmul %convert_element_type3A_81, %slice3A_86, %dot_general3A_89 {dimension_numbers = #tpu.dot_dimension_numbers<[1], [0], [0], [1], [0, 0, 1, 1], [], []>, transpose_lhs_hint = false} : vector<512x512xbf16>, vector<512x64xbf16>, vector<512x64xf32> -> vector<512x64xf32>
    %dot_general3A_91 = arith.constant dense<0.000000e+00> : vector<512x64xf32>
    %dot_general3A_92 = tpu.matmul %convert_element_type3A_84, %slice3A_85, %dot_general3A_91 {dimension_numbers = #tpu.dot_dimension_numbers<[1], [0], [0], [1], [0, 0, 1, 1], [], []>, transpose_lhs_hint = false} : vector<512x512xbf16>, vector<512x64xbf16>, vector<512x64xf32> -> vector<512x64xf32>
    %add3A_93 = arith.addf %dot_general3A_90, %dot_general3A_92 : vector<512x64xf32>
    %add3A_94 = arith.addf %dot_general3A_88, %add3A_93 : vector<512x64xf32>
    %mul3A_95 = vector.broadcast %div3A_80 : vector<512x1xf32> to vector<512x64xf32>
    %mul3A_96 = arith.mulf %add3A_94, %mul3A_95 : vector<512x64xf32>
    %slice3A_97 = vector.extract_strided_slice %dot_general3A_17 {offsets = [0, 2], sizes = [512, 1], strides = [1, 1]} : vector<512x4xf32> to vector<512x1xf32>
    %slice3A_98 = vector.extract_strided_slice %transpose3A {offsets = [2, 0], sizes = [1, 512], strides = [1, 1]} : vector<4x512xf32> to vector<1x512xf32>
    %add3A_99 = vector.broadcast %slice3A_97 : vector<512x1xf32> to vector<512x512xf32>
    %add3A_100 = vector.broadcast %slice3A_98 : vector<1x512xf32> to vector<512x512xf32>
    %add3A_101 = arith.addf %add3A_99, %add3A_100 : vector<512x512xf32>
    %ge3A_102 = arith.constant 0.000000e+00 : f32
    %ge3A_103 = vector.broadcast %ge3A_102 : f32 to vector<512x512xf32>
    %ge3A_104 = arith.cmpf oge, %add3A_101, %ge3A_103 : vector<512x512xf32>
    %min3A_105 = arith.constant 6.000000e+01 : f32
    %min3A_106 = vector.broadcast %min3A_105 : f32 to vector<512x512xf32>
    %min3A_107 = arith.minimumf %add3A_101, %min3A_106 : vector<512x512xf32>
    %mul3A_108 = arith.constant 2.000000e-01 : f32
    %mul3A_109 = vector.broadcast %mul3A_108 : f32 to vector<512x512xf32>
    %mul3A_110 = arith.mulf %mul3A_109, %add3A_101 : vector<512x512xf32>
    %select_n3A_111 = arith.select %ge3A_104, %min3A_107, %mul3A_110 : vector<512x512xi1>, vector<512x512xf32>
    %exp3A_112 = math.exp %select_n3A_111 : vector<512x512xf32>
    %mul3A_113 = arith.mulf %exp3A_112, %get3A_20 : vector<512x512xf32>
    %reduce_sum3A_114 = arith.constant dense<0.000000e+00> : vector<512xf32>
    %reduce_sum3A_115 = vector.multi_reduction <add>, %mul3A_113, %reduce_sum3A_114 [1] : vector<512x512xf32> to vector<512xf32>
    %broadcast_in_dim3A_116 = vector.shape_cast %reduce_sum3A_115 : vector<512xf32> to vector<512x1xf32>
    %add3A_117 = arith.constant 1.000000e-16 : f32
    %add3A_118 = vector.broadcast %add3A_117 : f32 to vector<512x1xf32>
    %add3A_119 = arith.addf %broadcast_in_dim3A_116, %add3A_118 : vector<512x1xf32>
    %div3A_120 = arith.constant 1.000000e+00 : f32
    %div3A_121 = vector.broadcast %div3A_120 : f32 to vector<512x1xf32>
    %div3A_122 = arith.divf %div3A_121, %add3A_119 : vector<512x1xf32>
    %convert_element_type3A_123 = arith.truncf %mul3A_113 : vector<512x512xf32> to vector<512x512xbf16>
    %convert_element_type3A_124 = arith.extf %convert_element_type3A_123 : vector<512x512xbf16> to vector<512x512xf32>
    %sub3A_125 = arith.subf %mul3A_113, %convert_element_type3A_124 : vector<512x512xf32>
    %convert_element_type3A_126 = arith.truncf %sub3A_125 : vector<512x512xf32> to vector<512x512xbf16>
    %slice3A_127 = vector.extract_strided_slice %convert_element_type3A {offsets = [0, 128], sizes = [512, 64], strides = [1, 1]} : vector<512x256xbf16> to vector<512x64xbf16>
    %slice3A_128 = vector.extract_strided_slice %convert_element_type3A_22 {offsets = [0, 128], sizes = [512, 64], strides = [1, 1]} : vector<512x256xbf16> to vector<512x64xbf16>
    %dot_general3A_129 = arith.constant dense<0.000000e+00> : vector<512x64xf32>
    %dot_general3A_130 = tpu.matmul %convert_element_type3A_123, %slice3A_127, %dot_general3A_129 {dimension_numbers = #tpu.dot_dimension_numbers<[1], [0], [0], [1], [0, 0, 1, 1], [], []>, transpose_lhs_hint = false} : vector<512x512xbf16>, vector<512x64xbf16>, vector<512x64xf32> -> vector<512x64xf32>
    %dot_general3A_131 = arith.constant dense<0.000000e+00> : vector<512x64xf32>
    %dot_general3A_132 = tpu.matmul %convert_element_type3A_123, %slice3A_128, %dot_general3A_131 {dimension_numbers = #tpu.dot_dimension_numbers<[1], [0], [0], [1], [0, 0, 1, 1], [], []>, transpose_lhs_hint = false} : vector<512x512xbf16>, vector<512x64xbf16>, vector<512x64xf32> -> vector<512x64xf32>
    %dot_general3A_133 = arith.constant dense<0.000000e+00> : vector<512x64xf32>
    %dot_general3A_134 = tpu.matmul %convert_element_type3A_126, %slice3A_127, %dot_general3A_133 {dimension_numbers = #tpu.dot_dimension_numbers<[1], [0], [0], [1], [0, 0, 1, 1], [], []>, transpose_lhs_hint = false} : vector<512x512xbf16>, vector<512x64xbf16>, vector<512x64xf32> -> vector<512x64xf32>
    %add3A_135 = arith.addf %dot_general3A_132, %dot_general3A_134 : vector<512x64xf32>
    %add3A_136 = arith.addf %dot_general3A_130, %add3A_135 : vector<512x64xf32>
    %mul3A_137 = vector.broadcast %div3A_122 : vector<512x1xf32> to vector<512x64xf32>
    %mul3A_138 = arith.mulf %add3A_136, %mul3A_137 : vector<512x64xf32>
    %slice3A_139 = vector.extract_strided_slice %dot_general3A_17 {offsets = [0, 3], sizes = [512, 1], strides = [1, 1]} : vector<512x4xf32> to vector<512x1xf32>
    %slice3A_140 = vector.extract_strided_slice %transpose3A {offsets = [3, 0], sizes = [1, 512], strides = [1, 1]} : vector<4x512xf32> to vector<1x512xf32>
    %add3A_141 = vector.broadcast %slice3A_139 : vector<512x1xf32> to vector<512x512xf32>
    %add3A_142 = vector.broadcast %slice3A_140 : vector<1x512xf32> to vector<512x512xf32>
    %add3A_143 = arith.addf %add3A_141, %add3A_142 : vector<512x512xf32>
    %ge3A_144 = arith.constant 0.000000e+00 : f32
    %ge3A_145 = vector.broadcast %ge3A_144 : f32 to vector<512x512xf32>
    %ge3A_146 = arith.cmpf oge, %add3A_143, %ge3A_145 : vector<512x512xf32>
    %min3A_147 = arith.constant 6.000000e+01 : f32
    %min3A_148 = vector.broadcast %min3A_147 : f32 to vector<512x512xf32>
    %min3A_149 = arith.minimumf %add3A_143, %min3A_148 : vector<512x512xf32>
    %mul3A_150 = arith.constant 2.000000e-01 : f32
    %mul3A_151 = vector.broadcast %mul3A_150 : f32 to vector<512x512xf32>
    %mul3A_152 = arith.mulf %mul3A_151, %add3A_143 : vector<512x512xf32>
    %select_n3A_153 = arith.select %ge3A_146, %min3A_149, %mul3A_152 : vector<512x512xi1>, vector<512x512xf32>
    %exp3A_154 = math.exp %select_n3A_153 : vector<512x512xf32>
    %mul3A_155 = arith.mulf %exp3A_154, %get3A_20 : vector<512x512xf32>
    %reduce_sum3A_156 = arith.constant dense<0.000000e+00> : vector<512xf32>
    %reduce_sum3A_157 = vector.multi_reduction <add>, %mul3A_155, %reduce_sum3A_156 [1] : vector<512x512xf32> to vector<512xf32>
    %broadcast_in_dim3A_158 = vector.shape_cast %reduce_sum3A_157 : vector<512xf32> to vector<512x1xf32>
    %add3A_159 = arith.constant 1.000000e-16 : f32
    %add3A_160 = vector.broadcast %add3A_159 : f32 to vector<512x1xf32>
    %add3A_161 = arith.addf %broadcast_in_dim3A_158, %add3A_160 : vector<512x1xf32>
    %div3A_162 = arith.constant 1.000000e+00 : f32
    %div3A_163 = vector.broadcast %div3A_162 : f32 to vector<512x1xf32>
    %div3A_164 = arith.divf %div3A_163, %add3A_161 : vector<512x1xf32>
    %convert_element_type3A_165 = arith.truncf %mul3A_155 : vector<512x512xf32> to vector<512x512xbf16>
    %convert_element_type3A_166 = arith.extf %convert_element_type3A_165 : vector<512x512xbf16> to vector<512x512xf32>
    %sub3A_167 = arith.subf %mul3A_155, %convert_element_type3A_166 : vector<512x512xf32>
    %convert_element_type3A_168 = arith.truncf %sub3A_167 : vector<512x512xf32> to vector<512x512xbf16>
    %slice3A_169 = vector.extract_strided_slice %convert_element_type3A {offsets = [0, 192], sizes = [512, 64], strides = [1, 1]} : vector<512x256xbf16> to vector<512x64xbf16>
    %slice3A_170 = vector.extract_strided_slice %convert_element_type3A_22 {offsets = [0, 192], sizes = [512, 64], strides = [1, 1]} : vector<512x256xbf16> to vector<512x64xbf16>
    %dot_general3A_171 = arith.constant dense<0.000000e+00> : vector<512x64xf32>
    %dot_general3A_172 = tpu.matmul %convert_element_type3A_165, %slice3A_169, %dot_general3A_171 {dimension_numbers = #tpu.dot_dimension_numbers<[1], [0], [0], [1], [0, 0, 1, 1], [], []>, transpose_lhs_hint = false} : vector<512x512xbf16>, vector<512x64xbf16>, vector<512x64xf32> -> vector<512x64xf32>
    %dot_general3A_173 = arith.constant dense<0.000000e+00> : vector<512x64xf32>
    %dot_general3A_174 = tpu.matmul %convert_element_type3A_165, %slice3A_170, %dot_general3A_173 {dimension_numbers = #tpu.dot_dimension_numbers<[1], [0], [0], [1], [0, 0, 1, 1], [], []>, transpose_lhs_hint = false} : vector<512x512xbf16>, vector<512x64xbf16>, vector<512x64xf32> -> vector<512x64xf32>
    %dot_general3A_175 = arith.constant dense<0.000000e+00> : vector<512x64xf32>
    %dot_general3A_176 = tpu.matmul %convert_element_type3A_168, %slice3A_169, %dot_general3A_175 {dimension_numbers = #tpu.dot_dimension_numbers<[1], [0], [0], [1], [0, 0, 1, 1], [], []>, transpose_lhs_hint = false} : vector<512x512xbf16>, vector<512x64xbf16>, vector<512x64xf32> -> vector<512x64xf32>
    %add3A_177 = arith.addf %dot_general3A_174, %dot_general3A_176 : vector<512x64xf32>
    %add3A_178 = arith.addf %dot_general3A_172, %add3A_177 : vector<512x64xf32>
    %mul3A_179 = vector.broadcast %div3A_164 : vector<512x1xf32> to vector<512x64xf32>
    %mul3A_180 = arith.mulf %add3A_178, %mul3A_179 : vector<512x64xf32>
    %concatenate3A = tpu.concatenate %mul3A_54, %mul3A_96, %mul3A_138, %mul3A_180 in 1 : vector<512x64xf32>, vector<512x64xf32>, vector<512x64xf32>, vector<512x64xf32> -> vector<512x256xf32>
    %get3A_181 = arith.constant 0 : index
    %get3A_182 = arith.constant 0 : index
    %get3A_183 = vector.load %arg6[%get3A_181, %get3A_182] : memref<1x256xf32, #tpu.memory_space<vmem>>, vector<1x256xf32>
    %add3A_184 = vector.broadcast %get3A_183 : vector<1x256xf32> to vector<512x256xf32>
    %add3A_185 = arith.addf %concatenate3A, %add3A_184 : vector<512x256xf32>
    %max3A = arith.constant 0.000000e+00 : f32
    %max3A_186 = vector.broadcast %max3A : f32 to vector<512x256xf32>
    %max3A_187 = arith.maximumf %add3A_185, %max3A_186 : vector<512x256xf32>
    %swap3A = arith.constant 0 : index
    %swap3A_188 = arith.constant 0 : index
    %swap3A_189 = arith.constant 0 : index
    %swap3A_190 = vector.load %arg7[%swap3A, %swap3A_188, %swap3A_189] : memref<1x512x256xf32, #tpu.memory_space<vmem>>, vector<1x512x256xf32>
    %swap3A_191 = vector.shape_cast %swap3A_190 : vector<1x512x256xf32> to vector<512x256xf32>
    %swap3A_192 = vector.shape_cast %max3A_187 : vector<512x256xf32> to vector<1x512x256xf32>
    tpu.vector_store %arg7[%swap3A, %swap3A_188, %swap3A_189], %swap3A_192 {strides = array<i32>} : memref<1x512x256xf32, #tpu.memory_space<vmem>>, vector<1x512x256xf32>,
    return
  }
  func.func @transform_0(%arg0: i32) -> (i32, i32, i32) {
    %c0_i32 = arith.constant 0 : i32
    %c0_i32_0 = arith.constant 0 : i32
    %c0_i32_1 = arith.constant 0 : i32
    return %arg0, %c0_i32, %c0_i32_0 : i32, i32, i32
  }
  func.func @transform_1(%arg0: i32) -> (i32, i32) {
    %c0_i32 = arith.constant 0 : i32
    %c0_i32_0 = arith.constant 0 : i32
    %c0_i32_1 = arith.constant 0 : i32
    return %c0_i32, %c0_i32_0 : i32, i32
  }
  func.func @transform_2(%arg0: i32) -> (i32, i32) {
    %c0_i32 = arith.constant 0 : i32
    %c0_i32_0 = arith.constant 0 : i32
    %c0_i32_1 = arith.constant 0 : i32
    return %c0_i32, %c0_i32_0 : i32, i32
  }
  func.func @transform_3(%arg0: i32) -> (i32, i32) {
    %c0_i32 = arith.constant 0 : i32
    %c0_i32_0 = arith.constant 0 : i32
    %c0_i32_1 = arith.constant 0 : i32
    return %c0_i32, %c0_i32_0 : i32, i32
  }
  func.func @transform_4(%arg0: i32) -> (i32, i32) {
    %c0_i32 = arith.constant 0 : i32
    %c0_i32_0 = arith.constant 0 : i32
    %c0_i32_1 = arith.constant 0 : i32
    return %c0_i32, %c0_i32_0 : i32, i32
  }
  func.func @transform_5(%arg0: i32) -> (i32, i32) {
    %c0_i32 = arith.constant 0 : i32
    %c0_i32_0 = arith.constant 0 : i32
    %c0_i32_1 = arith.constant 0 : i32
    return %c0_i32, %c0_i32_0 : i32, i32
  }
  func.func @transform_6(%arg0: i32) -> (i32, i32, i32) {
    %c0_i32 = arith.constant 0 : i32
    %c0_i32_0 = arith.constant 0 : i32
    %c0_i32_1 = arith.constant 0 : i32
    return %arg0, %c0_i32, %c0_i32_0 : i32, i32, i32
  }
}

module attributes {stable_mosaic.version = 14 : i64} {
  func.func @_gat_kernel(%arg0: i32, %arg1: memref<1x512x128xf32, #tpu.memory_space<vmem>>, %arg2: memref<512x512xf32, #tpu.memory_space<vmem>>, %arg3: memref<128x256xf32, #tpu.memory_space<vmem>>, %arg4: memref<256x4xf32, #tpu.memory_space<vmem>>, %arg5: memref<256x4xf32, #tpu.memory_space<vmem>>, %arg6: memref<1x256xf32, #tpu.memory_space<vmem>>, %arg7: memref<1x512x256xf32, #tpu.memory_space<vmem>>) attributes {dimension_semantics = [#tpu.dimension_semantics<arbitrary>], iteration_bounds = array<i64: 32>, scalar_prefetch = 0 : i64, scratch_operands = 0 : i64, tpu.core_type = #tpu.core_type<tc>, window_params = [{transform_indices = @transform_0, window_bounds = array<i64: 1, 512, 128>}, {pipeline_mode = #tpu.pipeline_mode<synchronous>, transform_indices = @transform_1, window_bounds = array<i64: 512, 512>}, {pipeline_mode = #tpu.pipeline_mode<synchronous>, transform_indices = @transform_2, window_bounds = array<i64: 128, 256>}, {pipeline_mode = #tpu.pipeline_mode<synchronous>, transform_indices = @transform_3, window_bounds = array<i64: 256, 4>}, {pipeline_mode = #tpu.pipeline_mode<synchronous>, transform_indices = @transform_4, window_bounds = array<i64: 256, 4>}, {pipeline_mode = #tpu.pipeline_mode<synchronous>, transform_indices = @transform_5, window_bounds = array<i64: 1, 256>}, {transform_indices = @transform_6, window_bounds = array<i64: 1, 512, 256>}]} {
    %get3A = arith.constant 0 : index
    %get3A_0 = arith.constant 0 : index
    %get3A_1 = arith.constant 0 : index
    %get3A_2 = vector.load %arg1[%get3A, %get3A_0, %get3A_1] : memref<1x512x128xf32, #tpu.memory_space<vmem>>, vector<1x512x128xf32>
    %get3A_3 = vector.shape_cast %get3A_2 : vector<1x512x128xf32> to vector<512x128xf32>
    %get3A_4 = arith.constant 0 : index
    %get3A_5 = arith.constant 0 : index
    %get3A_6 = vector.load %arg3[%get3A_4, %get3A_5] : memref<128x256xf32, #tpu.memory_space<vmem>>, vector<128x256xf32>
    %dot_general3A = arith.constant dense<0.000000e+00> : vector<512x256xf32>
    %dot_general3A_7 = tpu.matmul %get3A_3, %get3A_6, %dot_general3A {dimension_numbers = #tpu.dot_dimension_numbers<[1], [0], [0], [1], [0, 0, 1, 1], [], []>, transpose_lhs_hint = false} : vector<512x128xf32>, vector<128x256xf32>, vector<512x256xf32> -> vector<512x256xf32>
    %get3A_8 = arith.constant 0 : index
    %get3A_9 = arith.constant 0 : index
    %get3A_10 = vector.load %arg4[%get3A_8, %get3A_9] : memref<256x4xf32, #tpu.memory_space<vmem>>, vector<256x4xf32>
    %dot_general3A_11 = arith.constant dense<0.000000e+00> : vector<512x4xf32>
    %dot_general3A_12 = tpu.matmul %dot_general3A_7, %get3A_10, %dot_general3A_11 {dimension_numbers = #tpu.dot_dimension_numbers<[1], [0], [0], [1], [0, 0, 1, 1], [], []>, precision = #tpu.contract_precision<fp32>, transpose_lhs_hint = false} : vector<512x256xf32>, vector<256x4xf32>, vector<512x4xf32> -> vector<512x4xf32>
    %get3A_13 = arith.constant 0 : index
    %get3A_14 = arith.constant 0 : index
    %get3A_15 = vector.load %arg5[%get3A_13, %get3A_14] : memref<256x4xf32, #tpu.memory_space<vmem>>, vector<256x4xf32>
    %dot_general3A_16 = arith.constant dense<0.000000e+00> : vector<512x4xf32>
    %dot_general3A_17 = tpu.matmul %dot_general3A_7, %get3A_15, %dot_general3A_16 {dimension_numbers = #tpu.dot_dimension_numbers<[1], [0], [0], [1], [0, 0, 1, 1], [], []>, precision = #tpu.contract_precision<fp32>, transpose_lhs_hint = false} : vector<512x256xf32>, vector<256x4xf32>, vector<512x4xf32> -> vector<512x4xf32>
    %transpose3A = tpu.transpose %dot_general3A_12, [1, 0] : vector<512x4xf32> -> vector<4x512xf32>
    %get3A_18 = arith.constant 0 : index
    %get3A_19 = arith.constant 0 : index
    %get3A_20 = vector.load %arg2[%get3A_18, %get3A_19] : memref<512x512xf32, #tpu.memory_space<vmem>>, vector<512x512xf32>
    %convert_element_type3A = arith.truncf %dot_general3A_7 : vector<512x256xf32> to vector<512x256xbf16>
    %convert_element_type3A_21 = arith.extf %convert_element_type3A : vector<512x256xbf16> to vector<512x256xf32>
    %sub3A = arith.subf %dot_general3A_7, %convert_element_type3A_21 : vector<512x256xf32>
    %convert_element_type3A_22 = arith.truncf %sub3A : vector<512x256xf32> to vector<512x256xbf16>
    %slice3A = vector.extract_strided_slice %dot_general3A_17 {offsets = [0, 0], sizes = [512, 1], strides = [1, 1]} : vector<512x4xf32> to vector<512x1xf32>
    %slice3A_23 = vector.extract_strided_slice %transpose3A {offsets = [0, 0], sizes = [1, 512], strides = [1, 1]} : vector<4x512xf32> to vector<1x512xf32>
    %add3A = vector.broadcast %slice3A : vector<512x1xf32> to vector<512x512xf32>
    %add3A_24 = vector.broadcast %slice3A_23 : vector<1x512xf32> to vector<512x512xf32>
    %add3A_25 = arith.addf %add3A, %add3A_24 : vector<512x512xf32>
    %ge3A = arith.constant 0.000000e+00 : f32
    %ge3A_26 = vector.broadcast %ge3A : f32 to vector<512x512xf32>
    %ge3A_27 = arith.cmpf oge, %add3A_25, %ge3A_26 : vector<512x512xf32>
    %min3A = arith.constant 6.000000e+01 : f32
    %min3A_28 = vector.broadcast %min3A : f32 to vector<512x512xf32>
    %min3A_29 = arith.minimumf %add3A_25, %min3A_28 : vector<512x512xf32>
    %mul3A = arith.constant 2.000000e-01 : f32
    %mul3A_30 = vector.broadcast %mul3A : f32 to vector<512x512xf32>
    %mul3A_31 = arith.mulf %mul3A_30, %add3A_25 : vector<512x512xf32>
    %select_n3A = arith.select %ge3A_27, %min3A_29, %mul3A_31 : vector<512x512xi1>, vector<512x512xf32>
    %exp3A = math.exp %select_n3A : vector<512x512xf32>
    %mul3A_32 = arith.mulf %exp3A, %get3A_20 : vector<512x512xf32>
    %reduce_sum3A = arith.constant dense<0.000000e+00> : vector<512xf32>
    %reduce_sum3A_33 = vector.multi_reduction <add>, %mul3A_32, %reduce_sum3A [1] : vector<512x512xf32> to vector<512xf32>
    %broadcast_in_dim3A = vector.shape_cast %reduce_sum3A_33 : vector<512xf32> to vector<512x1xf32>
    %add3A_34 = arith.constant 1.000000e-16 : f32
    %add3A_35 = vector.broadcast %add3A_34 : f32 to vector<512x1xf32>
    %add3A_36 = arith.addf %broadcast_in_dim3A, %add3A_35 : vector<512x1xf32>
    %div3A = arith.constant 1.000000e+00 : f32
    %div3A_37 = vector.broadcast %div3A : f32 to vector<512x1xf32>
    %div3A_38 = arith.divf %div3A_37, %add3A_36 : vector<512x1xf32>
    %convert_element_type3A_39 = arith.truncf %mul3A_32 : vector<512x512xf32> to vector<512x512xbf16>
    %convert_element_type3A_40 = arith.extf %convert_element_type3A_39 : vector<512x512xbf16> to vector<512x512xf32>
    %sub3A_41 = arith.subf %mul3A_32, %convert_element_type3A_40 : vector<512x512xf32>
    %convert_element_type3A_42 = arith.truncf %sub3A_41 : vector<512x512xf32> to vector<512x512xbf16>
    %slice3A_43 = vector.extract_strided_slice %convert_element_type3A {offsets = [0, 0], sizes = [512, 64], strides = [1, 1]} : vector<512x256xbf16> to vector<512x64xbf16>
    %slice3A_44 = vector.extract_strided_slice %convert_element_type3A_22 {offsets = [0, 0], sizes = [512, 64], strides = [1, 1]} : vector<512x256xbf16> to vector<512x64xbf16>
    %dot_general3A_45 = arith.constant dense<0.000000e+00> : vector<512x64xf32>
    %dot_general3A_46 = tpu.matmul %convert_element_type3A_39, %slice3A_43, %dot_general3A_45 {dimension_numbers = #tpu.dot_dimension_numbers<[1], [0], [0], [1], [0, 0, 1, 1], [], []>, transpose_lhs_hint = false} : vector<512x512xbf16>, vector<512x64xbf16>, vector<512x64xf32> -> vector<512x64xf32>
    %dot_general3A_47 = arith.constant dense<0.000000e+00> : vector<512x64xf32>
    %dot_general3A_48 = tpu.matmul %convert_element_type3A_39, %slice3A_44, %dot_general3A_47 {dimension_numbers = #tpu.dot_dimension_numbers<[1], [0], [0], [1], [0, 0, 1, 1], [], []>, transpose_lhs_hint = false} : vector<512x512xbf16>, vector<512x64xbf16>, vector<512x64xf32> -> vector<512x64xf32>
    %dot_general3A_49 = arith.constant dense<0.000000e+00> : vector<512x64xf32>
    %dot_general3A_50 = tpu.matmul %convert_element_type3A_42, %slice3A_43, %dot_general3A_49 {dimension_numbers = #tpu.dot_dimension_numbers<[1], [0], [0], [1], [0, 0, 1, 1], [], []>, transpose_lhs_hint = false} : vector<512x512xbf16>, vector<512x64xbf16>, vector<512x64xf32> -> vector<512x64xf32>
    %add3A_51 = arith.addf %dot_general3A_48, %dot_general3A_50 : vector<512x64xf32>
    %add3A_52 = arith.addf %dot_general3A_46, %add3A_51 : vector<512x64xf32>
    %mul3A_53 = vector.broadcast %div3A_38 : vector<512x1xf32> to vector<512x64xf32>
    %mul3A_54 = arith.mulf %add3A_52, %mul3A_53 : vector<512x64xf32>
    %slice3A_55 = vector.extract_strided_slice %dot_general3A_17 {offsets = [0, 1], sizes = [512, 1], strides = [1, 1]} : vector<512x4xf32> to vector<512x1xf32>
    %slice3A_56 = vector.extract_strided_slice %transpose3A {offsets = [1, 0], sizes = [1, 512], strides = [1, 1]} : vector<4x512xf32> to vector<1x512xf32>
    %add3A_57 = vector.broadcast %slice3A_55 : vector<512x1xf32> to vector<512x512xf32>
    %add3A_58 = vector.broadcast %slice3A_56 : vector<1x512xf32> to vector<512x512xf32>
    %add3A_59 = arith.addf %add3A_57, %add3A_58 : vector<512x512xf32>
    %ge3A_60 = arith.constant 0.000000e+00 : f32
    %ge3A_61 = vector.broadcast %ge3A_60 : f32 to vector<512x512xf32>
    %ge3A_62 = arith.cmpf oge, %add3A_59, %ge3A_61 : vector<512x512xf32>
    %min3A_63 = arith.constant 6.000000e+01 : f32
    %min3A_64 = vector.broadcast %min3A_63 : f32 to vector<512x512xf32>
    %min3A_65 = arith.minimumf %add3A_59, %min3A_64 : vector<512x512xf32>
    %mul3A_66 = arith.constant 2.000000e-01 : f32
    %mul3A_67 = vector.broadcast %mul3A_66 : f32 to vector<512x512xf32>
    %mul3A_68 = arith.mulf %mul3A_67, %add3A_59 : vector<512x512xf32>
    %select_n3A_69 = arith.select %ge3A_62, %min3A_65, %mul3A_68 : vector<512x512xi1>, vector<512x512xf32>
    %exp3A_70 = math.exp %select_n3A_69 : vector<512x512xf32>
    %mul3A_71 = arith.mulf %exp3A_70, %get3A_20 : vector<512x512xf32>
    %reduce_sum3A_72 = arith.constant dense<0.000000e+00> : vector<512xf32>
    %reduce_sum3A_73 = vector.multi_reduction <add>, %mul3A_71, %reduce_sum3A_72 [1] : vector<512x512xf32> to vector<512xf32>
    %broadcast_in_dim3A_74 = vector.shape_cast %reduce_sum3A_73 : vector<512xf32> to vector<512x1xf32>
    %add3A_75 = arith.constant 1.000000e-16 : f32
    %add3A_76 = vector.broadcast %add3A_75 : f32 to vector<512x1xf32>
    %add3A_77 = arith.addf %broadcast_in_dim3A_74, %add3A_76 : vector<512x1xf32>
    %div3A_78 = arith.constant 1.000000e+00 : f32
    %div3A_79 = vector.broadcast %div3A_78 : f32 to vector<512x1xf32>
    %div3A_80 = arith.divf %div3A_79, %add3A_77 : vector<512x1xf32>
    %convert_element_type3A_81 = arith.truncf %mul3A_71 : vector<512x512xf32> to vector<512x512xbf16>
    %convert_element_type3A_82 = arith.extf %convert_element_type3A_81 : vector<512x512xbf16> to vector<512x512xf32>
    %sub3A_83 = arith.subf %mul3A_71, %convert_element_type3A_82 : vector<512x512xf32>
    %convert_element_type3A_84 = arith.truncf %sub3A_83 : vector<512x512xf32> to vector<512x512xbf16>
    %slice3A_85 = vector.extract_strided_slice %convert_element_type3A {offsets = [0, 64], sizes = [512, 64], strides = [1, 1]} : vector<512x256xbf16> to vector<512x64xbf16>
    %slice3A_86 = vector.extract_strided_slice %convert_element_type3A_22 {offsets = [0, 64], sizes = [512, 64], strides = [1, 1]} : vector<512x256xbf16> to vector<512x64xbf16>
    %dot_general3A_87 = arith.constant dense<0.000000e+00> : vector<512x64xf32>
    %dot_general3A_88 = tpu.matmul %convert_element_type3A_81, %slice3A_85, %dot_general3A_87 {dimension_numbers = #tpu.dot_dimension_numbers<[1], [0], [0], [1], [0, 0, 1, 1], [], []>, transpose_lhs_hint = false} : vector<512x512xbf16>, vector<512x64xbf16>, vector<512x64xf32> -> vector<512x64xf32>
    %dot_general3A_89 = arith.constant dense<0.000000e+00> : vector<512x64xf32>
    %dot_general3A_90 = tpu.matmul %convert_element_type3A_81, %slice3A_86, %dot_general3A_89 {dimension_numbers = #tpu.dot_dimension_numbers<[1], [0], [0], [1], [0, 0, 1, 1], [], []>, transpose_lhs_hint = false} : vector<512x512xbf16>, vector<512x64xbf16>, vector<512x64xf32> -> vector<512x64xf32>
    %dot_general3A_91 = arith.constant dense<0.000000e+00> : vector<512x64xf32>
    %dot_general3A_92 = tpu.matmul %convert_element_type3A_84, %slice3A_85, %dot_general3A_91 {dimension_numbers = #tpu.dot_dimension_numbers<[1], [0], [0], [1], [0, 0, 1, 1], [], []>, transpose_lhs_hint = false} : vector<512x512xbf16>, vector<512x64xbf16>, vector<512x64xf32> -> vector<512x64xf32>
    %add3A_93 = arith.addf %dot_general3A_90, %dot_general3A_92 : vector<512x64xf32>
    %add3A_94 = arith.addf %dot_general3A_88, %add3A_93 : vector<512x64xf32>
    %mul3A_95 = vector.broadcast %div3A_80 : vector<512x1xf32> to vector<512x64xf32>
    %mul3A_96 = arith.mulf %add3A_94, %mul3A_95 : vector<512x64xf32>
    %slice3A_97 = vector.extract_strided_slice %dot_general3A_17 {offsets = [0, 2], sizes = [512, 1], strides = [1, 1]} : vector<512x4xf32> to vector<512x1xf32>
    %slice3A_98 = vector.extract_strided_slice %transpose3A {offsets = [2, 0], sizes = [1, 512], strides = [1, 1]} : vector<4x512xf32> to vector<1x512xf32>
    %add3A_99 = vector.broadcast %slice3A_97 : vector<512x1xf32> to vector<512x512xf32>
    %add3A_100 = vector.broadcast %slice3A_98 : vector<1x512xf32> to vector<512x512xf32>
    %add3A_101 = arith.addf %add3A_99, %add3A_100 : vector<512x512xf32>
    %ge3A_102 = arith.constant 0.000000e+00 : f32
    %ge3A_103 = vector.broadcast %ge3A_102 : f32 to vector<512x512xf32>
    %ge3A_104 = arith.cmpf oge, %add3A_101, %ge3A_103 : vector<512x512xf32>
    %min3A_105 = arith.constant 6.000000e+01 : f32
    %min3A_106 = vector.broadcast %min3A_105 : f32 to vector<512x512xf32>
    %min3A_107 = arith.minimumf %add3A_101, %min3A_106 : vector<512x512xf32>
    %mul3A_108 = arith.constant 2.000000e-01 : f32
    %mul3A_109 = vector.broadcast %mul3A_108 : f32 to vector<512x512xf32>
    %mul3A_110 = arith.mulf %mul3A_109, %add3A_101 : vector<512x512xf32>
    %select_n3A_111 = arith.select %ge3A_104, %min3A_107, %mul3A_110 : vector<512x512xi1>, vector<512x512xf32>
    %exp3A_112 = math.exp %select_n3A_111 : vector<512x512xf32>
    %mul3A_113 = arith.mulf %exp3A_112, %get3A_20 : vector<512x512xf32>
    %reduce_sum3A_114 = arith.constant dense<0.000000e+00> : vector<512xf32>
    %reduce_sum3A_115 = vector.multi_reduction <add>, %mul3A_113, %reduce_sum3A_114 [1] : vector<512x512xf32> to vector<512xf32>
    %broadcast_in_dim3A_116 = vector.shape_cast %reduce_sum3A_115 : vector<512xf32> to vector<512x1xf32>
    %add3A_117 = arith.constant 1.000000e-16 : f32
    %add3A_118 = vector.broadcast %add3A_117 : f32 to vector<512x1xf32>
    %add3A_119 = arith.addf %broadcast_in_dim3A_116, %add3A_118 : vector<512x1xf32>
    %div3A_120 = arith.constant 1.000000e+00 : f32
    %div3A_121 = vector.broadcast %div3A_120 : f32 to vector<512x1xf32>
    %div3A_122 = arith.divf %div3A_121, %add3A_119 : vector<512x1xf32>
    %convert_element_type3A_123 = arith.truncf %mul3A_113 : vector<512x512xf32> to vector<512x512xbf16>
    %convert_element_type3A_124 = arith.extf %convert_element_type3A_123 : vector<512x512xbf16> to vector<512x512xf32>
    %sub3A_125 = arith.subf %mul3A_113, %convert_element_type3A_124 : vector<512x512xf32>
    %convert_element_type3A_126 = arith.truncf %sub3A_125 : vector<512x512xf32> to vector<512x512xbf16>
    %slice3A_127 = vector.extract_strided_slice %convert_element_type3A {offsets = [0, 128], sizes = [512, 64], strides = [1, 1]} : vector<512x256xbf16> to vector<512x64xbf16>
    %slice3A_128 = vector.extract_strided_slice %convert_element_type3A_22 {offsets = [0, 128], sizes = [512, 64], strides = [1, 1]} : vector<512x256xbf16> to vector<512x64xbf16>
    %dot_general3A_129 = arith.constant dense<0.000000e+00> : vector<512x64xf32>
    %dot_general3A_130 = tpu.matmul %convert_element_type3A_123, %slice3A_127, %dot_general3A_129 {dimension_numbers = #tpu.dot_dimension_numbers<[1], [0], [0], [1], [0, 0, 1, 1], [], []>, transpose_lhs_hint = false} : vector<512x512xbf16>, vector<512x64xbf16>, vector<512x64xf32> -> vector<512x64xf32>
    %dot_general3A_131 = arith.constant dense<0.000000e+00> : vector<512x64xf32>
    %dot_general3A_132 = tpu.matmul %convert_element_type3A_123, %slice3A_128, %dot_general3A_131 {dimension_numbers = #tpu.dot_dimension_numbers<[1], [0], [0], [1], [0, 0, 1, 1], [], []>, transpose_lhs_hint = false} : vector<512x512xbf16>, vector<512x64xbf16>, vector<512x64xf32> -> vector<512x64xf32>
    %dot_general3A_133 = arith.constant dense<0.000000e+00> : vector<512x64xf32>
    %dot_general3A_134 = tpu.matmul %convert_element_type3A_126, %slice3A_127, %dot_general3A_133 {dimension_numbers = #tpu.dot_dimension_numbers<[1], [0], [0], [1], [0, 0, 1, 1], [], []>, transpose_lhs_hint = false} : vector<512x512xbf16>, vector<512x64xbf16>, vector<512x64xf32> -> vector<512x64xf32>
    %add3A_135 = arith.addf %dot_general3A_132, %dot_general3A_134 : vector<512x64xf32>
    %add3A_136 = arith.addf %dot_general3A_130, %add3A_135 : vector<512x64xf32>
    %mul3A_137 = vector.broadcast %div3A_122 : vector<512x1xf32> to vector<512x64xf32>
    %mul3A_138 = arith.mulf %add3A_136, %mul3A_137 : vector<512x64xf32>
    %slice3A_139 = vector.extract_strided_slice %dot_general3A_17 {offsets = [0, 3], sizes = [512, 1], strides = [1, 1]} : vector<512x4xf32> to vector<512x1xf32>
    %slice3A_140 = vector.extract_strided_slice %transpose3A {offsets = [3, 0], sizes = [1, 512], strides = [1, 1]} : vector<4x512xf32> to vector<1x512xf32>
    %add3A_141 = vector.broadcast %slice3A_139 : vector<512x1xf32> to vector<512x512xf32>
    %add3A_142 = vector.broadcast %slice3A_140 : vector<1x512xf32> to vector<512x512xf32>
    %add3A_143 = arith.addf %add3A_141, %add3A_142 : vector<512x512xf32>
    %ge3A_144 = arith.constant 0.000000e+00 : f32
    %ge3A_145 = vector.broadcast %ge3A_144 : f32 to vector<512x512xf32>
    %ge3A_146 = arith.cmpf oge, %add3A_143, %ge3A_145 : vector<512x512xf32>
    %min3A_147 = arith.constant 6.000000e+01 : f32
    %min3A_148 = vector.broadcast %min3A_147 : f32 to vector<512x512xf32>
    %min3A_149 = arith.minimumf %add3A_143, %min3A_148 : vector<512x512xf32>
    %mul3A_150 = arith.constant 2.000000e-01 : f32
    %mul3A_151 = vector.broadcast %mul3A_150 : f32 to vector<512x512xf32>
    %mul3A_152 = arith.mulf %mul3A_151, %add3A_143 : vector<512x512xf32>
    %select_n3A_153 = arith.select %ge3A_146, %min3A_149, %mul3A_152 : vector<512x512xi1>, vector<512x512xf32>
    %exp3A_154 = math.exp %select_n3A_153 : vector<512x512xf32>
    %mul3A_155 = arith.mulf %exp3A_154, %get3A_20 : vector<512x512xf32>
    %reduce_sum3A_156 = arith.constant dense<0.000000e+00> : vector<512xf32>
    %reduce_sum3A_157 = vector.multi_reduction <add>, %mul3A_155, %reduce_sum3A_156 [1] : vector<512x512xf32> to vector<512xf32>
    %broadcast_in_dim3A_158 = vector.shape_cast %reduce_sum3A_157 : vector<512xf32> to vector<512x1xf32>
    %add3A_159 = arith.constant 1.000000e-16 : f32
    %add3A_160 = vector.broadcast %add3A_159 : f32 to vector<512x1xf32>
    %add3A_161 = arith.addf %broadcast_in_dim3A_158, %add3A_160 : vector<512x1xf32>
    %div3A_162 = arith.constant 1.000000e+00 : f32
    %div3A_163 = vector.broadcast %div3A_162 : f32 to vector<512x1xf32>
    %div3A_164 = arith.divf %div3A_163, %add3A_161 : vector<512x1xf32>
    %convert_element_type3A_165 = arith.truncf %mul3A_155 : vector<512x512xf32> to vector<512x512xbf16>
    %convert_element_type3A_166 = arith.extf %convert_element_type3A_165 : vector<512x512xbf16> to vector<512x512xf32>
    %sub3A_167 = arith.subf %mul3A_155, %convert_element_type3A_166 : vector<512x512xf32>
    %convert_element_type3A_168 = arith.truncf %sub3A_167 : vector<512x512xf32> to vector<512x512xbf16>
    %slice3A_169 = vector.extract_strided_slice %convert_element_type3A {offsets = [0, 192], sizes = [512, 64], strides = [1, 1]} : vector<512x256xbf16> to vector<512x64xbf16>
    %slice3A_170 = vector.extract_strided_slice %convert_element_type3A_22 {offsets = [0, 192], sizes = [512, 64], strides = [1, 1]} : vector<512x256xbf16> to vector<512x64xbf16>
    %dot_general3A_171 = arith.constant dense<0.000000e+00> : vector<512x64xf32>
    %dot_general3A_172 = tpu.matmul %convert_element_type3A_165, %slice3A_169, %dot_general3A_171 {dimension_numbers = #tpu.dot_dimension_numbers<[1], [0], [0], [1], [0, 0, 1, 1], [], []>, transpose_lhs_hint = false} : vector<512x512xbf16>, vector<512x64xbf16>, vector<512x64xf32> -> vector<512x64xf32>
    %dot_general3A_173 = arith.constant dense<0.000000e+00> : vector<512x64xf32>
    %dot_general3A_174 = tpu.matmul %convert_element_type3A_165, %slice3A_170, %dot_general3A_173 {dimension_numbers = #tpu.dot_dimension_numbers<[1], [0], [0], [1], [0, 0, 1, 1], [], []>, transpose_lhs_hint = false} : vector<512x512xbf16>, vector<512x64xbf16>, vector<512x64xf32> -> vector<512x64xf32>
    %dot_general3A_175 = arith.constant dense<0.000000e+00> : vector<512x64xf32>
    %dot_general3A_176 = tpu.matmul %convert_element_type3A_168, %slice3A_169, %dot_general3A_175 {dimension_numbers = #tpu.dot_dimension_numbers<[1], [0], [0], [1], [0, 0, 1, 1], [], []>, transpose_lhs_hint = false} : vector<512x512xbf16>, vector<512x64xbf16>, vector<512x64xf32> -> vector<512x64xf32>
    %add3A_177 = arith.addf %dot_general3A_174, %dot_general3A_176 : vector<512x64xf32>
    %add3A_178 = arith.addf %dot_general3A_172, %add3A_177 : vector<512x64xf32>
    %mul3A_179 = vector.broadcast %div3A_164 : vector<512x1xf32> to vector<512x64xf32>
    %mul3A_180 = arith.mulf %add3A_178, %mul3A_179 : vector<512x64xf32>
    %concatenate3A = tpu.concatenate %mul3A_54, %mul3A_96, %mul3A_138, %mul3A_180 in 1 : vector<512x64xf32>, vector<512x64xf32>, vector<512x64xf32>, vector<512x64xf32> -> vector<512x256xf32>
    %get3A_181 = arith.constant 0 : index
    %get3A_182 = arith.constant 0 : index
    %get3A_183 = vector.load %arg6[%get3A_181, %get3A_182] : memref<1x256xf32, #tpu.memory_space<vmem>>, vector<1x256xf32>
    %add3A_184 = vector.broadcast %get3A_183 : vector<1x256xf32> to vector<512x256xf32>
    %add3A_185 = arith.addf %concatenate3A, %add3A_184 : vector<512x256xf32>
    %max3A = arith.constant 0.000000e+00 : f32
    %max3A_186 = vector.broadcast %max3A : f32 to vector<512x256xf32>
    %max3A_187 = arith.maximumf %add3A_185, %max3A_186 : vector<512x256xf32>
    %swap3A = arith.constant 0 : index
    %swap3A_188 = arith.constant 0 : index
    %swap3A_189 = arith.constant 0 : index
    %swap3A_190 = vector.load %arg7[%swap3A, %swap3A_188, %swap3A_189] : memref<1x512x256xf32, #tpu.memory_space<vmem>>, vector<1x512x256xf32>
    %swap3A_191 = vector.shape_cast %swap3A_190 : vector<1x512x256xf32> to vector<512x256xf32>
    %swap3A_192 = vector.shape_cast %max3A_187 : vector<512x256xf32> to vector<1x512x256xf32>
    tpu.vector_store %arg7[%swap3A, %swap3A_188, %swap3A_189], %swap3A_192 {strides = array<i32>} : memref<1x512x256xf32, #tpu.memory_space<vmem>>, vector<1x512x256xf32>,
    return
  }
  func.func @transform_0(%arg0: i32) -> (i32, i32, i32) {
    %c0_i32 = arith.constant 0 : i32
    %c0_i32_0 = arith.constant 0 : i32
    %c0_i32_1 = arith.constant 0 : i32
    return %arg0, %c0_i32, %c0_i32_0 : i32, i32, i32
  }
  func.func @transform_1(%arg0: i32) -> (i32, i32) {
    %c0_i32 = arith.constant 0 : i32
    %c0_i32_0 = arith.constant 0 : i32
    %c0_i32_1 = arith.constant 0 : i32
    return %c0_i32, %c0_i32_0 : i32, i32
  }
  func.func @transform_2(%arg0: i32) -> (i32, i32) {
    %c0_i32 = arith.constant 0 : i32
    %c0_i32_0 = arith.constant 0 : i32
    %c0_i32_1 = arith.constant 0 : i32
    return %c0_i32, %c0_i32_0 : i32, i32
  }
  func.func @transform_3(%arg0: i32) -> (i32, i32) {
    %c0_i32 = arith.constant 0 : i32
    %c0_i32_0 = arith.constant 0 : i32
    %c0_i32_1 = arith.constant 0 : i32
    return %c0_i32, %c0_i32_0 : i32, i32
  }
  func.func @transform_4(%arg0: i32) -> (i32, i32) {
    %c0_i32 = arith.constant 0 : i32
    %c0_i32_0 = arith.constant 0 : i32
    %c0_i32_1 = arith.constant 0 : i32
    return %c0_i32, %c0_i32_0 : i32, i32
  }
  func.func @transform_5(%arg0: i32) -> (i32, i32) {
    %c0_i32 = arith.constant 0 : i32
    %c0_i32_0 = arith.constant 0 : i32
    %c0_i32_1 = arith.constant 0 : i32
    return %c0_i32, %c0_i32_0 : i32, i32
  }
  func.func @transform_6(%arg0: i32) -> (i32, i32, i32) {
    %c0_i32 = arith.constant 0 : i32
    %c0_i32_0 = arith.constant 0 : i32
    %c0_i32_1 = arith.constant 0 : i32
    return %arg0, %c0_i32, %c0_i32_0 : i32, i32, i32
  }
}

module attributes {stable_mosaic.version = 14 : i64} {
  func.func @_sum2_kernel(%arg0: memref<2x512x512xf32, #tpu.memory_space<vmem>>, %arg1: memref<512x512xf32, #tpu.memory_space<vmem>>) attributes {dimension_semantics = [], scalar_prefetch = 0 : i64, scratch_operands = 0 : i64, tpu.core_type = #tpu.core_type<tc>} {
    %get3A = arith.constant 0 : index
    %get3A_0 = arith.constant 0 : index
    %get3A_1 = arith.constant 0 : index
    %get3A_2 = vector.load %arg0[%get3A, %get3A_0, %get3A_1] : memref<2x512x512xf32, #tpu.memory_space<vmem>>, vector<1x512x512xf32>
    %get3A_3 = vector.shape_cast %get3A_2 : vector<1x512x512xf32> to vector<512x512xf32>
    %get3A_4 = arith.constant 1 : index
    %get3A_5 = arith.constant 0 : index
    %get3A_6 = arith.constant 0 : index
    %get3A_7 = vector.load %arg0[%get3A_4, %get3A_5, %get3A_6] : memref<2x512x512xf32, #tpu.memory_space<vmem>>, vector<1x512x512xf32>
    %get3A_8 = vector.shape_cast %get3A_7 : vector<1x512x512xf32> to vector<512x512xf32>
    %add3A = arith.addf %get3A_3, %get3A_8 : vector<512x512xf32>
    %swap3A = arith.constant 0 : index
    %swap3A_9 = arith.constant 0 : index
    %swap3A_10 = vector.load %arg1[%swap3A, %swap3A_9] : memref<512x512xf32, #tpu.memory_space<vmem>>, vector<512x512xf32>
    tpu.vector_store %arg1[%swap3A, %swap3A_9], %add3A {strides = array<i32>} : memref<512x512xf32, #tpu.memory_space<vmem>>, vector<512x512xf32>,
    return
  }
}

module attributes {stable_mosaic.version = 14 : i64} {
  func.func @_gat_kernel(%arg0: i32, %arg1: memref<1x512x256xf32, #tpu.memory_space<vmem>>, %arg2: memref<512x512xf32, #tpu.memory_space<vmem>>, %arg3: memref<256x64xf32, #tpu.memory_space<vmem>>, %arg4: memref<64x1xf32, #tpu.memory_space<vmem>>, %arg5: memref<64x1xf32, #tpu.memory_space<vmem>>, %arg6: memref<1x64xf32, #tpu.memory_space<vmem>>, %arg7: memref<1x1x64xf32, #tpu.memory_space<vmem>>) attributes {dimension_semantics = [#tpu.dimension_semantics<arbitrary>], iteration_bounds = array<i64: 32>, scalar_prefetch = 0 : i64, scratch_operands = 0 : i64, tpu.core_type = #tpu.core_type<tc>, window_params = [{transform_indices = @transform_0, window_bounds = array<i64: 1, 512, 256>}, {pipeline_mode = #tpu.pipeline_mode<synchronous>, transform_indices = @transform_1, window_bounds = array<i64: 512, 512>}, {pipeline_mode = #tpu.pipeline_mode<synchronous>, transform_indices = @transform_2, window_bounds = array<i64: 256, 64>}, {pipeline_mode = #tpu.pipeline_mode<synchronous>, transform_indices = @transform_3, window_bounds = array<i64: 64, 1>}, {pipeline_mode = #tpu.pipeline_mode<synchronous>, transform_indices = @transform_4, window_bounds = array<i64: 64, 1>}, {pipeline_mode = #tpu.pipeline_mode<synchronous>, transform_indices = @transform_5, window_bounds = array<i64: 1, 64>}, {transform_indices = @transform_6, window_bounds = array<i64: 1, 1, 64>}]} {
    %get3A = arith.constant 0 : index
    %get3A_0 = arith.constant 0 : index
    %get3A_1 = arith.constant 0 : index
    %get3A_2 = vector.load %arg1[%get3A, %get3A_0, %get3A_1] : memref<1x512x256xf32, #tpu.memory_space<vmem>>, vector<1x512x256xf32>
    %get3A_3 = vector.shape_cast %get3A_2 : vector<1x512x256xf32> to vector<512x256xf32>
    %get3A_4 = arith.constant 0 : index
    %get3A_5 = arith.constant 0 : index
    %get3A_6 = vector.load %arg3[%get3A_4, %get3A_5] : memref<256x64xf32, #tpu.memory_space<vmem>>, vector<256x64xf32>
    %dot_general3A = arith.constant dense<0.000000e+00> : vector<512x64xf32>
    %dot_general3A_7 = tpu.matmul %get3A_3, %get3A_6, %dot_general3A {dimension_numbers = #tpu.dot_dimension_numbers<[1], [0], [0], [1], [0, 0, 1, 1], [], []>, transpose_lhs_hint = false} : vector<512x256xf32>, vector<256x64xf32>, vector<512x64xf32> -> vector<512x64xf32>
    %get3A_8 = arith.constant 0 : index
    %get3A_9 = arith.constant 0 : index
    %get3A_10 = vector.load %arg4[%get3A_8, %get3A_9] : memref<64x1xf32, #tpu.memory_space<vmem>>, vector<64x1xf32>
    %dot_general3A_11 = arith.constant dense<0.000000e+00> : vector<512x1xf32>
    %dot_general3A_12 = tpu.matmul %dot_general3A_7, %get3A_10, %dot_general3A_11 {dimension_numbers = #tpu.dot_dimension_numbers<[1], [0], [0], [1], [0, 0, 1, 1], [], []>, precision = #tpu.contract_precision<fp32>, transpose_lhs_hint = false} : vector<512x64xf32>, vector<64x1xf32>, vector<512x1xf32> -> vector<512x1xf32>
    %get3A_13 = arith.constant 0 : index
    %get3A_14 = arith.constant 0 : index
    %get3A_15 = vector.load %arg5[%get3A_13, %get3A_14] : memref<64x1xf32, #tpu.memory_space<vmem>>, vector<64x1xf32>
    %dot_general3A_16 = arith.constant dense<0.000000e+00> : vector<512x1xf32>
    %dot_general3A_17 = tpu.matmul %dot_general3A_7, %get3A_15, %dot_general3A_16 {dimension_numbers = #tpu.dot_dimension_numbers<[1], [0], [0], [1], [0, 0, 1, 1], [], []>, precision = #tpu.contract_precision<fp32>, transpose_lhs_hint = false} : vector<512x64xf32>, vector<64x1xf32>, vector<512x1xf32> -> vector<512x1xf32>
    %transpose3A = tpu.transpose %dot_general3A_12, [1, 0] : vector<512x1xf32> -> vector<1x512xf32>
    %get3A_18 = arith.constant 0 : index
    %get3A_19 = arith.constant 0 : index
    %get3A_20 = vector.load %arg2[%get3A_18, %get3A_19] : memref<512x512xf32, #tpu.memory_space<vmem>>, vector<512x512xf32>
    %convert_element_type3A = arith.truncf %dot_general3A_7 : vector<512x64xf32> to vector<512x64xbf16>
    %convert_element_type3A_21 = arith.extf %convert_element_type3A : vector<512x64xbf16> to vector<512x64xf32>
    %sub3A = arith.subf %dot_general3A_7, %convert_element_type3A_21 : vector<512x64xf32>
    %convert_element_type3A_22 = arith.truncf %sub3A : vector<512x64xf32> to vector<512x64xbf16>
    %add3A = vector.broadcast %dot_general3A_17 : vector<512x1xf32> to vector<512x512xf32>
    %add3A_23 = vector.broadcast %transpose3A : vector<1x512xf32> to vector<512x512xf32>
    %add3A_24 = arith.addf %add3A, %add3A_23 : vector<512x512xf32>
    %ge3A = arith.constant 0.000000e+00 : f32
    %ge3A_25 = vector.broadcast %ge3A : f32 to vector<512x512xf32>
    %ge3A_26 = arith.cmpf oge, %add3A_24, %ge3A_25 : vector<512x512xf32>
    %min3A = arith.constant 6.000000e+01 : f32
    %min3A_27 = vector.broadcast %min3A : f32 to vector<512x512xf32>
    %min3A_28 = arith.minimumf %add3A_24, %min3A_27 : vector<512x512xf32>
    %mul3A = arith.constant 2.000000e-01 : f32
    %mul3A_29 = vector.broadcast %mul3A : f32 to vector<512x512xf32>
    %mul3A_30 = arith.mulf %mul3A_29, %add3A_24 : vector<512x512xf32>
    %select_n3A = arith.select %ge3A_26, %min3A_28, %mul3A_30 : vector<512x512xi1>, vector<512x512xf32>
    %exp3A = math.exp %select_n3A : vector<512x512xf32>
    %mul3A_31 = arith.mulf %exp3A, %get3A_20 : vector<512x512xf32>
    %reduce_sum3A = arith.constant dense<0.000000e+00> : vector<512xf32>
    %reduce_sum3A_32 = vector.multi_reduction <add>, %mul3A_31, %reduce_sum3A [1] : vector<512x512xf32> to vector<512xf32>
    %broadcast_in_dim3A = vector.shape_cast %reduce_sum3A_32 : vector<512xf32> to vector<512x1xf32>
    %add3A_33 = arith.constant 1.000000e-16 : f32
    %add3A_34 = vector.broadcast %add3A_33 : f32 to vector<512x1xf32>
    %add3A_35 = arith.addf %broadcast_in_dim3A, %add3A_34 : vector<512x1xf32>
    %div3A = arith.constant 1.000000e+00 : f32
    %div3A_36 = vector.broadcast %div3A : f32 to vector<512x1xf32>
    %div3A_37 = arith.divf %div3A_36, %add3A_35 : vector<512x1xf32>
    %convert_element_type3A_38 = arith.truncf %mul3A_31 : vector<512x512xf32> to vector<512x512xbf16>
    %convert_element_type3A_39 = arith.extf %convert_element_type3A_38 : vector<512x512xbf16> to vector<512x512xf32>
    %sub3A_40 = arith.subf %mul3A_31, %convert_element_type3A_39 : vector<512x512xf32>
    %convert_element_type3A_41 = arith.truncf %sub3A_40 : vector<512x512xf32> to vector<512x512xbf16>
    %dot_general3A_42 = arith.constant dense<0.000000e+00> : vector<512x64xf32>
    %dot_general3A_43 = tpu.matmul %convert_element_type3A_38, %convert_element_type3A, %dot_general3A_42 {dimension_numbers = #tpu.dot_dimension_numbers<[1], [0], [0], [1], [0, 0, 1, 1], [], []>, transpose_lhs_hint = false} : vector<512x512xbf16>, vector<512x64xbf16>, vector<512x64xf32> -> vector<512x64xf32>
    %dot_general3A_44 = arith.constant dense<0.000000e+00> : vector<512x64xf32>
    %dot_general3A_45 = tpu.matmul %convert_element_type3A_38, %convert_element_type3A_22, %dot_general3A_44 {dimension_numbers = #tpu.dot_dimension_numbers<[1], [0], [0], [1], [0, 0, 1, 1], [], []>, transpose_lhs_hint = false} : vector<512x512xbf16>, vector<512x64xbf16>, vector<512x64xf32> -> vector<512x64xf32>
    %dot_general3A_46 = arith.constant dense<0.000000e+00> : vector<512x64xf32>
    %dot_general3A_47 = tpu.matmul %convert_element_type3A_41, %convert_element_type3A, %dot_general3A_46 {dimension_numbers = #tpu.dot_dimension_numbers<[1], [0], [0], [1], [0, 0, 1, 1], [], []>, transpose_lhs_hint = false} : vector<512x512xbf16>, vector<512x64xbf16>, vector<512x64xf32> -> vector<512x64xf32>
    %add3A_48 = arith.addf %dot_general3A_45, %dot_general3A_47 : vector<512x64xf32>
    %add3A_49 = arith.addf %dot_general3A_43, %add3A_48 : vector<512x64xf32>
    %mul3A_50 = vector.broadcast %div3A_37 : vector<512x1xf32> to vector<512x64xf32>
    %mul3A_51 = arith.mulf %add3A_49, %mul3A_50 : vector<512x64xf32>
    %get3A_52 = arith.constant 0 : index
    %get3A_53 = arith.constant 0 : index
    %get3A_54 = vector.load %arg6[%get3A_52, %get3A_53] : memref<1x64xf32, #tpu.memory_space<vmem>>, vector<1x64xf32>
    %add3A_55 = vector.broadcast %get3A_54 : vector<1x64xf32> to vector<512x64xf32>
    %add3A_56 = arith.addf %mul3A_51, %add3A_55 : vector<512x64xf32>
    %max3A = arith.constant 0.000000e+00 : f32
    %max3A_57 = vector.broadcast %max3A : f32 to vector<512x64xf32>
    %max3A_58 = arith.maximumf %add3A_56, %max3A_57 : vector<512x64xf32>
    %reduce_sum3A_59 = arith.constant dense<0.000000e+00> : vector<64xf32>
    %reduce_sum3A_60 = vector.multi_reduction <add>, %max3A_58, %reduce_sum3A_59 [0] : vector<512x64xf32> to vector<64xf32>
    %broadcast_in_dim3A_61 = vector.shape_cast %reduce_sum3A_60 : vector<64xf32> to vector<1x64xf32>
    %swap3A = arith.constant 0 : index
    %swap3A_62 = arith.constant 0 : index
    %swap3A_63 = arith.constant 0 : index
    %swap3A_64 = vector.load %arg7[%swap3A, %swap3A_62, %swap3A_63] : memref<1x1x64xf32, #tpu.memory_space<vmem>>, vector<1x1x64xf32>
    %swap3A_65 = vector.shape_cast %swap3A_64 : vector<1x1x64xf32> to vector<1x64xf32>
    %swap3A_66 = vector.shape_cast %broadcast_in_dim3A_61 : vector<1x64xf32> to vector<1x1x64xf32>
    tpu.vector_store %arg7[%swap3A, %swap3A_62, %swap3A_63], %swap3A_66 {strides = array<i32>} : memref<1x1x64xf32, #tpu.memory_space<vmem>>, vector<1x1x64xf32>,
    return
  }
  func.func @transform_0(%arg0: i32) -> (i32, i32, i32) {
    %c0_i32 = arith.constant 0 : i32
    %c0_i32_0 = arith.constant 0 : i32
    %c0_i32_1 = arith.constant 0 : i32
    return %arg0, %c0_i32, %c0_i32_0 : i32, i32, i32
  }
  func.func @transform_1(%arg0: i32) -> (i32, i32) {
    %c0_i32 = arith.constant 0 : i32
    %c0_i32_0 = arith.constant 0 : i32
    %c0_i32_1 = arith.constant 0 : i32
    return %c0_i32, %c0_i32_0 : i32, i32
  }
  func.func @transform_2(%arg0: i32) -> (i32, i32) {
    %c0_i32 = arith.constant 0 : i32
    %c0_i32_0 = arith.constant 0 : i32
    %c0_i32_1 = arith.constant 0 : i32
    return %c0_i32, %c0_i32_0 : i32, i32
  }
  func.func @transform_3(%arg0: i32) -> (i32, i32) {
    %c0_i32 = arith.constant 0 : i32
    %c0_i32_0 = arith.constant 0 : i32
    %c0_i32_1 = arith.constant 0 : i32
    return %c0_i32, %c0_i32_0 : i32, i32
  }
  func.func @transform_4(%arg0: i32) -> (i32, i32) {
    %c0_i32 = arith.constant 0 : i32
    %c0_i32_0 = arith.constant 0 : i32
    %c0_i32_1 = arith.constant 0 : i32
    return %c0_i32, %c0_i32_0 : i32, i32
  }
  func.func @transform_5(%arg0: i32) -> (i32, i32) {
    %c0_i32 = arith.constant 0 : i32
    %c0_i32_0 = arith.constant 0 : i32
    %c0_i32_1 = arith.constant 0 : i32
    return %c0_i32, %c0_i32_0 : i32, i32
  }
  func.func @transform_6(%arg0: i32) -> (i32, i32, i32) {
    %c0_i32 = arith.constant 0 : i32
    %c0_i32_0 = arith.constant 0 : i32
    %c0_i32_1 = arith.constant 0 : i32
    return %arg0, %c0_i32, %c0_i32_0 : i32, i32, i32
  }
}

module attributes {stable_mosaic.version = 14 : i64} {
  func.func @_lstm_kernel(%arg0: memref<8x4x64xf32, #tpu.memory_space<vmem>>, %arg1: memref<1024x64xf32, #tpu.memory_space<vmem>>, %arg2: memref<1024x256xf32, #tpu.memory_space<vmem>>, %arg3: memref<1x1024xf32, #tpu.memory_space<vmem>>, %arg4: memref<1024x64xf32, #tpu.memory_space<vmem>>, %arg5: memref<1024x256xf32, #tpu.memory_space<vmem>>, %arg6: memref<1x1024xf32, #tpu.memory_space<vmem>>, %arg7: memref<2048x512xf32, #tpu.memory_space<vmem>>, %arg8: memref<1x2048xf32, #tpu.memory_space<vmem>>, %arg9: memref<2048x512xf32, #tpu.memory_space<vmem>>, %arg10: memref<1x2048xf32, #tpu.memory_space<vmem>>, %arg11: memref<32x512xf32, #tpu.memory_space<vmem>>, %arg12: memref<1x32xf32, #tpu.memory_space<vmem>>, %arg13: memref<4x4128xf32, #tpu.memory_space<vmem>>) attributes {dimension_semantics = [], scalar_prefetch = 0 : i64, scratch_operands = 0 : i64, tpu.core_type = #tpu.core_type<tc>} {
    %broadcast_in_dim3A = arith.constant 0.000000e+00 : f32
    %broadcast_in_dim3A_0 = vector.broadcast %broadcast_in_dim3A : f32 to vector<4x256xf32>
    %broadcast_in_dim3A_1 = arith.constant 0.000000e+00 : f32
    %broadcast_in_dim3A_2 = vector.broadcast %broadcast_in_dim3A_1 : f32 to vector<4x256xf32>
    %broadcast_in_dim3A_3 = arith.constant 0.000000e+00 : f32
    %broadcast_in_dim3A_4 = vector.broadcast %broadcast_in_dim3A_3 : f32 to vector<4x256xf32>
    %broadcast_in_dim3A_5 = arith.constant 0.000000e+00 : f32
    %broadcast_in_dim3A_6 = vector.broadcast %broadcast_in_dim3A_5 : f32 to vector<4x256xf32>
    %get3A = arith.constant 0 : index
    %get3A_7 = arith.constant 0 : index
    %get3A_8 = vector.load %arg1[%get3A, %get3A_7] : memref<1024x64xf32, #tpu.memory_space<vmem>>, vector<1024x64xf32>
    %transpose3A = tpu.transpose %get3A_8, [1, 0] : vector<1024x64xf32> -> vector<64x1024xf32>
    %get3A_9 = arith.constant 0 : index
    %get3A_10 = arith.constant 0 : index
    %get3A_11 = vector.load %arg2[%get3A_9, %get3A_10] : memref<1024x256xf32, #tpu.memory_space<vmem>>, vector<1024x256xf32>
    %transpose3A_12 = tpu.transpose %get3A_11, [1, 0] : vector<1024x256xf32> -> vector<256x1024xf32>
    %get3A_13 = arith.constant 0 : index
    %get3A_14 = arith.constant 0 : index
    %get3A_15 = vector.load %arg4[%get3A_13, %get3A_14] : memref<1024x64xf32, #tpu.memory_space<vmem>>, vector<1024x64xf32>
    %transpose3A_16 = tpu.transpose %get3A_15, [1, 0] : vector<1024x64xf32> -> vector<64x1024xf32>
    %get3A_17 = arith.constant 0 : index
    %get3A_18 = arith.constant 0 : index
    %get3A_19 = vector.load %arg5[%get3A_17, %get3A_18] : memref<1024x256xf32, #tpu.memory_space<vmem>>, vector<1024x256xf32>
    %transpose3A_20 = tpu.transpose %get3A_19, [1, 0] : vector<1024x256xf32> -> vector<256x1024xf32>
    %get3A_21 = arith.constant 0 : index
    %get3A_22 = arith.constant 0 : index
    %get3A_23 = arith.constant 0 : index
    %get3A_24 = vector.load %arg0[%get3A_21, %get3A_22, %get3A_23] : memref<8x4x64xf32, #tpu.memory_space<vmem>>, vector<1x4x64xf32>
    %get3A_25 = vector.shape_cast %get3A_24 : vector<1x4x64xf32> to vector<4x64xf32>
    %get3A_26 = arith.constant 0 : index
    %get3A_27 = arith.constant 0 : index
    %get3A_28 = vector.load %arg3[%get3A_26, %get3A_27] : memref<1x1024xf32, #tpu.memory_space<vmem>>, vector<1x1024xf32>
    %dot_general3A = arith.constant dense<0.000000e+00> : vector<4x1024xf32>
    %dot_general3A_29 = tpu.matmul %get3A_25, %transpose3A, %dot_general3A {dimension_numbers = #tpu.dot_dimension_numbers<[1], [0], [0], [1], [0, 0, 1, 1], [], []>, transpose_lhs_hint = false} : vector<4x64xf32>, vector<64x1024xf32>, vector<4x1024xf32> -> vector<4x1024xf32>
    %dot_general3A_30 = arith.constant dense<0.000000e+00> : vector<4x1024xf32>
    %dot_general3A_31 = tpu.matmul %broadcast_in_dim3A_0, %transpose3A_12, %dot_general3A_30 {dimension_numbers = #tpu.dot_dimension_numbers<[1], [0], [0], [1], [0, 0, 1, 1], [], []>, transpose_lhs_hint = false} : vector<4x256xf32>, vector<256x1024xf32>, vector<4x1024xf32> -> vector<4x1024xf32>
    %add3A = arith.addf %dot_general3A_29, %dot_general3A_31 : vector<4x1024xf32>
    %add3A_32 = vector.broadcast %get3A_28 : vector<1x1024xf32> to vector<4x1024xf32>
    %add3A_33 = arith.addf %add3A, %add3A_32 : vector<4x1024xf32>
    %slice3A = vector.extract_strided_slice %add3A_33 {offsets = [0, 0], sizes = [4, 256], strides = [1, 1]} : vector<4x1024xf32> to vector<4x256xf32>
    %logistic3A = arith.negf %slice3A : vector<4x256xf32>
    %logistic3A_34 = math.exp %logistic3A : vector<4x256xf32>
    %logistic3A_35 = arith.constant 1.000000e+00 : f32
    %logistic3A_36 = vector.broadcast %logistic3A_35 : f32 to vector<4x256xf32>
    %logistic3A_37 = arith.addf %logistic3A_36, %logistic3A_34 : vector<4x256xf32>
    %logistic3A_38 = arith.divf %logistic3A_36, %logistic3A_37 : vector<4x256xf32>
    %slice3A_39 = vector.extract_strided_slice %add3A_33 {offsets = [0, 256], sizes = [4, 256], strides = [1, 1]} : vector<4x1024xf32> to vector<4x256xf32>
    %logistic3A_40 = arith.negf %slice3A_39 : vector<4x256xf32>
    %logistic3A_41 = math.exp %logistic3A_40 : vector<4x256xf32>
    %logistic3A_42 = arith.constant 1.000000e+00 : f32
    %logistic3A_43 = vector.broadcast %logistic3A_42 : f32 to vector<4x256xf32>
    %logistic3A_44 = arith.addf %logistic3A_43, %logistic3A_41 : vector<4x256xf32>
    %logistic3A_45 = arith.divf %logistic3A_43, %logistic3A_44 : vector<4x256xf32>
    %slice3A_46 = vector.extract_strided_slice %add3A_33 {offsets = [0, 512], sizes = [4, 256], strides = [1, 1]} : vector<4x1024xf32> to vector<4x256xf32>
    %tanh3A = math.tanh %slice3A_46 : vector<4x256xf32>
    %slice3A_47 = vector.extract_strided_slice %add3A_33 {offsets = [0, 768], sizes = [4, 256], strides = [1, 1]} : vector<4x1024xf32> to vector<4x256xf32>
    %logistic3A_48 = arith.negf %slice3A_47 : vector<4x256xf32>
    %logistic3A_49 = math.exp %logistic3A_48 : vector<4x256xf32>
    %logistic3A_50 = arith.constant 1.000000e+00 : f32
    %logistic3A_51 = vector.broadcast %logistic3A_50 : f32 to vector<4x256xf32>
    %logistic3A_52 = arith.addf %logistic3A_51, %logistic3A_49 : vector<4x256xf32>
    %logistic3A_53 = arith.divf %logistic3A_51, %logistic3A_52 : vector<4x256xf32>
    %mul3A = arith.mulf %logistic3A_45, %broadcast_in_dim3A_2 : vector<4x256xf32>
    %mul3A_54 = arith.mulf %logistic3A_38, %tanh3A : vector<4x256xf32>
    %add3A_55 = arith.addf %mul3A, %mul3A_54 : vector<4x256xf32>
    %tanh3A_56 = math.tanh %add3A_55 : vector<4x256xf32>
    %mul3A_57 = arith.mulf %logistic3A_53, %tanh3A_56 : vector<4x256xf32>
    %get3A_58 = arith.constant 7 : index
    %get3A_59 = arith.constant 0 : index
    %get3A_60 = arith.constant 0 : index
    %get3A_61 = vector.load %arg0[%get3A_58, %get3A_59, %get3A_60] : memref<8x4x64xf32, #tpu.memory_space<vmem>>, vector<1x4x64xf32>
    %get3A_62 = vector.shape_cast %get3A_61 : vector<1x4x64xf32> to vector<4x64xf32>
    %get3A_63 = arith.constant 0 : index
    %get3A_64 = arith.constant 0 : index
    %get3A_65 = vector.load %arg6[%get3A_63, %get3A_64] : memref<1x1024xf32, #tpu.memory_space<vmem>>, vector<1x1024xf32>
    %dot_general3A_66 = arith.constant dense<0.000000e+00> : vector<4x1024xf32>
    %dot_general3A_67 = tpu.matmul %get3A_62, %transpose3A_16, %dot_general3A_66 {dimension_numbers = #tpu.dot_dimension_numbers<[1], [0], [0], [1], [0, 0, 1, 1], [], []>, transpose_lhs_hint = false} : vector<4x64xf32>, vector<64x1024xf32>, vector<4x1024xf32> -> vector<4x1024xf32>
    %dot_general3A_68 = arith.constant dense<0.000000e+00> : vector<4x1024xf32>
    %dot_general3A_69 = tpu.matmul %broadcast_in_dim3A_4, %transpose3A_20, %dot_general3A_68 {dimension_numbers = #tpu.dot_dimension_numbers<[1], [0], [0], [1], [0, 0, 1, 1], [], []>, transpose_lhs_hint = false} : vector<4x256xf32>, vector<256x1024xf32>, vector<4x1024xf32> -> vector<4x1024xf32>
    %add3A_70 = arith.addf %dot_general3A_67, %dot_general3A_69 : vector<4x1024xf32>
    %add3A_71 = vector.broadcast %get3A_65 : vector<1x1024xf32> to vector<4x1024xf32>
    %add3A_72 = arith.addf %add3A_70, %add3A_71 : vector<4x1024xf32>
    %slice3A_73 = vector.extract_strided_slice %add3A_72 {offsets = [0, 0], sizes = [4, 256], strides = [1, 1]} : vector<4x1024xf32> to vector<4x256xf32>
    %logistic3A_74 = arith.negf %slice3A_73 : vector<4x256xf32>
    %logistic3A_75 = math.exp %logistic3A_74 : vector<4x256xf32>
    %logistic3A_76 = arith.constant 1.000000e+00 : f32
    %logistic3A_77 = vector.broadcast %logistic3A_76 : f32 to vector<4x256xf32>
    %logistic3A_78 = arith.addf %logistic3A_77, %logistic3A_75 : vector<4x256xf32>
    %logistic3A_79 = arith.divf %logistic3A_77, %logistic3A_78 : vector<4x256xf32>
    %slice3A_80 = vector.extract_strided_slice %add3A_72 {offsets = [0, 256], sizes = [4, 256], strides = [1, 1]} : vector<4x1024xf32> to vector<4x256xf32>
    %logistic3A_81 = arith.negf %slice3A_80 : vector<4x256xf32>
    %logistic3A_82 = math.exp %logistic3A_81 : vector<4x256xf32>
    %logistic3A_83 = arith.constant 1.000000e+00 : f32
    %logistic3A_84 = vector.broadcast %logistic3A_83 : f32 to vector<4x256xf32>
    %logistic3A_85 = arith.addf %logistic3A_84, %logistic3A_82 : vector<4x256xf32>
    %logistic3A_86 = arith.divf %logistic3A_84, %logistic3A_85 : vector<4x256xf32>
    %slice3A_87 = vector.extract_strided_slice %add3A_72 {offsets = [0, 512], sizes = [4, 256], strides = [1, 1]} : vector<4x1024xf32> to vector<4x256xf32>
    %tanh3A_88 = math.tanh %slice3A_87 : vector<4x256xf32>
    %slice3A_89 = vector.extract_strided_slice %add3A_72 {offsets = [0, 768], sizes = [4, 256], strides = [1, 1]} : vector<4x1024xf32> to vector<4x256xf32>
    %logistic3A_90 = arith.negf %slice3A_89 : vector<4x256xf32>
    %logistic3A_91 = math.exp %logistic3A_90 : vector<4x256xf32>
    %logistic3A_92 = arith.constant 1.000000e+00 : f32
    %logistic3A_93 = vector.broadcast %logistic3A_92 : f32 to vector<4x256xf32>
    %logistic3A_94 = arith.addf %logistic3A_93, %logistic3A_91 : vector<4x256xf32>
    %logistic3A_95 = arith.divf %logistic3A_93, %logistic3A_94 : vector<4x256xf32>
    %mul3A_96 = arith.mulf %logistic3A_86, %broadcast_in_dim3A_6 : vector<4x256xf32>
    %mul3A_97 = arith.mulf %logistic3A_79, %tanh3A_88 : vector<4x256xf32>
    %add3A_98 = arith.addf %mul3A_96, %mul3A_97 : vector<4x256xf32>
    %tanh3A_99 = math.tanh %add3A_98 : vector<4x256xf32>
    %mul3A_100 = arith.mulf %logistic3A_95, %tanh3A_99 : vector<4x256xf32>
    %get3A_101 = arith.constant 1 : index
    %get3A_102 = arith.constant 0 : index
    %get3A_103 = arith.constant 0 : index
    %get3A_104 = vector.load %arg0[%get3A_101, %get3A_102, %get3A_103] : memref<8x4x64xf32, #tpu.memory_space<vmem>>, vector<1x4x64xf32>
    %get3A_105 = vector.shape_cast %get3A_104 : vector<1x4x64xf32> to vector<4x64xf32>
    %get3A_106 = arith.constant 0 : index
    %get3A_107 = arith.constant 0 : index
    %get3A_108 = vector.load %arg3[%get3A_106, %get3A_107] : memref<1x1024xf32, #tpu.memory_space<vmem>>, vector<1x1024xf32>
    %dot_general3A_109 = arith.constant dense<0.000000e+00> : vector<4x1024xf32>
    %dot_general3A_110 = tpu.matmul %get3A_105, %transpose3A, %dot_general3A_109 {dimension_numbers = #tpu.dot_dimension_numbers<[1], [0], [0], [1], [0, 0, 1, 1], [], []>, transpose_lhs_hint = false} : vector<4x64xf32>, vector<64x1024xf32>, vector<4x1024xf32> -> vector<4x1024xf32>
    %dot_general3A_111 = arith.constant dense<0.000000e+00> : vector<4x1024xf32>
    %dot_general3A_112 = tpu.matmul %mul3A_57, %transpose3A_12, %dot_general3A_111 {dimension_numbers = #tpu.dot_dimension_numbers<[1], [0], [0], [1], [0, 0, 1, 1], [], []>, transpose_lhs_hint = false} : vector<4x256xf32>, vector<256x1024xf32>, vector<4x1024xf32> -> vector<4x1024xf32>
    %add3A_113 = arith.addf %dot_general3A_110, %dot_general3A_112 : vector<4x1024xf32>
    %add3A_114 = vector.broadcast %get3A_108 : vector<1x1024xf32> to vector<4x1024xf32>
    %add3A_115 = arith.addf %add3A_113, %add3A_114 : vector<4x1024xf32>
    %slice3A_116 = vector.extract_strided_slice %add3A_115 {offsets = [0, 0], sizes = [4, 256], strides = [1, 1]} : vector<4x1024xf32> to vector<4x256xf32>
    %logistic3A_117 = arith.negf %slice3A_116 : vector<4x256xf32>
    %logistic3A_118 = math.exp %logistic3A_117 : vector<4x256xf32>
    %logistic3A_119 = arith.constant 1.000000e+00 : f32
    %logistic3A_120 = vector.broadcast %logistic3A_119 : f32 to vector<4x256xf32>
    %logistic3A_121 = arith.addf %logistic3A_120, %logistic3A_118 : vector<4x256xf32>
    %logistic3A_122 = arith.divf %logistic3A_120, %logistic3A_121 : vector<4x256xf32>
    %slice3A_123 = vector.extract_strided_slice %add3A_115 {offsets = [0, 256], sizes = [4, 256], strides = [1, 1]} : vector<4x1024xf32> to vector<4x256xf32>
    %logistic3A_124 = arith.negf %slice3A_123 : vector<4x256xf32>
    %logistic3A_125 = math.exp %logistic3A_124 : vector<4x256xf32>
    %logistic3A_126 = arith.constant 1.000000e+00 : f32
    %logistic3A_127 = vector.broadcast %logistic3A_126 : f32 to vector<4x256xf32>
    %logistic3A_128 = arith.addf %logistic3A_127, %logistic3A_125 : vector<4x256xf32>
    %logistic3A_129 = arith.divf %logistic3A_127, %logistic3A_128 : vector<4x256xf32>
    %slice3A_130 = vector.extract_strided_slice %add3A_115 {offsets = [0, 512], sizes = [4, 256], strides = [1, 1]} : vector<4x1024xf32> to vector<4x256xf32>
    %tanh3A_131 = math.tanh %slice3A_130 : vector<4x256xf32>
    %slice3A_132 = vector.extract_strided_slice %add3A_115 {offsets = [0, 768], sizes = [4, 256], strides = [1, 1]} : vector<4x1024xf32> to vector<4x256xf32>
    %logistic3A_133 = arith.negf %slice3A_132 : vector<4x256xf32>
    %logistic3A_134 = math.exp %logistic3A_133 : vector<4x256xf32>
    %logistic3A_135 = arith.constant 1.000000e+00 : f32
    %logistic3A_136 = vector.broadcast %logistic3A_135 : f32 to vector<4x256xf32>
    %logistic3A_137 = arith.addf %logistic3A_136, %logistic3A_134 : vector<4x256xf32>
    %logistic3A_138 = arith.divf %logistic3A_136, %logistic3A_137 : vector<4x256xf32>
    %mul3A_139 = arith.mulf %logistic3A_129, %add3A_55 : vector<4x256xf32>
    %mul3A_140 = arith.mulf %logistic3A_122, %tanh3A_131 : vector<4x256xf32>
    %add3A_141 = arith.addf %mul3A_139, %mul3A_140 : vector<4x256xf32>
    %tanh3A_142 = math.tanh %add3A_141 : vector<4x256xf32>
    %mul3A_143 = arith.mulf %logistic3A_138, %tanh3A_142 : vector<4x256xf32>
    %get3A_144 = arith.constant 6 : index
    %get3A_145 = arith.constant 0 : index
    %get3A_146 = arith.constant 0 : index
    %get3A_147 = vector.load %arg0[%get3A_144, %get3A_145, %get3A_146] : memref<8x4x64xf32, #tpu.memory_space<vmem>>, vector<1x4x64xf32>
    %get3A_148 = vector.shape_cast %get3A_147 : vector<1x4x64xf32> to vector<4x64xf32>
    %get3A_149 = arith.constant 0 : index
    %get3A_150 = arith.constant 0 : index
    %get3A_151 = vector.load %arg6[%get3A_149, %get3A_150] : memref<1x1024xf32, #tpu.memory_space<vmem>>, vector<1x1024xf32>
    %dot_general3A_152 = arith.constant dense<0.000000e+00> : vector<4x1024xf32>
    %dot_general3A_153 = tpu.matmul %get3A_148, %transpose3A_16, %dot_general3A_152 {dimension_numbers = #tpu.dot_dimension_numbers<[1], [0], [0], [1], [0, 0, 1, 1], [], []>, transpose_lhs_hint = false} : vector<4x64xf32>, vector<64x1024xf32>, vector<4x1024xf32> -> vector<4x1024xf32>
    %dot_general3A_154 = arith.constant dense<0.000000e+00> : vector<4x1024xf32>
    %dot_general3A_155 = tpu.matmul %mul3A_100, %transpose3A_20, %dot_general3A_154 {dimension_numbers = #tpu.dot_dimension_numbers<[1], [0], [0], [1], [0, 0, 1, 1], [], []>, transpose_lhs_hint = false} : vector<4x256xf32>, vector<256x1024xf32>, vector<4x1024xf32> -> vector<4x1024xf32>
    %add3A_156 = arith.addf %dot_general3A_153, %dot_general3A_155 : vector<4x1024xf32>
    %add3A_157 = vector.broadcast %get3A_151 : vector<1x1024xf32> to vector<4x1024xf32>
    %add3A_158 = arith.addf %add3A_156, %add3A_157 : vector<4x1024xf32>
    %slice3A_159 = vector.extract_strided_slice %add3A_158 {offsets = [0, 0], sizes = [4, 256], strides = [1, 1]} : vector<4x1024xf32> to vector<4x256xf32>
    %logistic3A_160 = arith.negf %slice3A_159 : vector<4x256xf32>
    %logistic3A_161 = math.exp %logistic3A_160 : vector<4x256xf32>
    %logistic3A_162 = arith.constant 1.000000e+00 : f32
    %logistic3A_163 = vector.broadcast %logistic3A_162 : f32 to vector<4x256xf32>
    %logistic3A_164 = arith.addf %logistic3A_163, %logistic3A_161 : vector<4x256xf32>
    %logistic3A_165 = arith.divf %logistic3A_163, %logistic3A_164 : vector<4x256xf32>
    %slice3A_166 = vector.extract_strided_slice %add3A_158 {offsets = [0, 256], sizes = [4, 256], strides = [1, 1]} : vector<4x1024xf32> to vector<4x256xf32>
    %logistic3A_167 = arith.negf %slice3A_166 : vector<4x256xf32>
    %logistic3A_168 = math.exp %logistic3A_167 : vector<4x256xf32>
    %logistic3A_169 = arith.constant 1.000000e+00 : f32
    %logistic3A_170 = vector.broadcast %logistic3A_169 : f32 to vector<4x256xf32>
    %logistic3A_171 = arith.addf %logistic3A_170, %logistic3A_168 : vector<4x256xf32>
    %logistic3A_172 = arith.divf %logistic3A_170, %logistic3A_171 : vector<4x256xf32>
    %slice3A_173 = vector.extract_strided_slice %add3A_158 {offsets = [0, 512], sizes = [4, 256], strides = [1, 1]} : vector<4x1024xf32> to vector<4x256xf32>
    %tanh3A_174 = math.tanh %slice3A_173 : vector<4x256xf32>
    %slice3A_175 = vector.extract_strided_slice %add3A_158 {offsets = [0, 768], sizes = [4, 256], strides = [1, 1]} : vector<4x1024xf32> to vector<4x256xf32>
    %logistic3A_176 = arith.negf %slice3A_175 : vector<4x256xf32>
    %logistic3A_177 = math.exp %logistic3A_176 : vector<4x256xf32>
    %logistic3A_178 = arith.constant 1.000000e+00 : f32
    %logistic3A_179 = vector.broadcast %logistic3A_178 : f32 to vector<4x256xf32>
    %logistic3A_180 = arith.addf %logistic3A_179, %logistic3A_177 : vector<4x256xf32>
    %logistic3A_181 = arith.divf %logistic3A_179, %logistic3A_180 : vector<4x256xf32>
    %mul3A_182 = arith.mulf %logistic3A_172, %add3A_98 : vector<4x256xf32>
    %mul3A_183 = arith.mulf %logistic3A_165, %tanh3A_174 : vector<4x256xf32>
    %add3A_184 = arith.addf %mul3A_182, %mul3A_183 : vector<4x256xf32>
    %tanh3A_185 = math.tanh %add3A_184 : vector<4x256xf32>
    %mul3A_186 = arith.mulf %logistic3A_181, %tanh3A_185 : vector<4x256xf32>
    %get3A_187 = arith.constant 2 : index
    %get3A_188 = arith.constant 0 : index
    %get3A_189 = arith.constant 0 : index
    %get3A_190 = vector.load %arg0[%get3A_187, %get3A_188, %get3A_189] : memref<8x4x64xf32, #tpu.memory_space<vmem>>, vector<1x4x64xf32>
    %get3A_191 = vector.shape_cast %get3A_190 : vector<1x4x64xf32> to vector<4x64xf32>
    %get3A_192 = arith.constant 0 : index
    %get3A_193 = arith.constant 0 : index
    %get3A_194 = vector.load %arg3[%get3A_192, %get3A_193] : memref<1x1024xf32, #tpu.memory_space<vmem>>, vector<1x1024xf32>
    %dot_general3A_195 = arith.constant dense<0.000000e+00> : vector<4x1024xf32>
    %dot_general3A_196 = tpu.matmul %get3A_191, %transpose3A, %dot_general3A_195 {dimension_numbers = #tpu.dot_dimension_numbers<[1], [0], [0], [1], [0, 0, 1, 1], [], []>, transpose_lhs_hint = false} : vector<4x64xf32>, vector<64x1024xf32>, vector<4x1024xf32> -> vector<4x1024xf32>
    %dot_general3A_197 = arith.constant dense<0.000000e+00> : vector<4x1024xf32>
    %dot_general3A_198 = tpu.matmul %mul3A_143, %transpose3A_12, %dot_general3A_197 {dimension_numbers = #tpu.dot_dimension_numbers<[1], [0], [0], [1], [0, 0, 1, 1], [], []>, transpose_lhs_hint = false} : vector<4x256xf32>, vector<256x1024xf32>, vector<4x1024xf32> -> vector<4x1024xf32>
    %add3A_199 = arith.addf %dot_general3A_196, %dot_general3A_198 : vector<4x1024xf32>
    %add3A_200 = vector.broadcast %get3A_194 : vector<1x1024xf32> to vector<4x1024xf32>
    %add3A_201 = arith.addf %add3A_199, %add3A_200 : vector<4x1024xf32>
    %slice3A_202 = vector.extract_strided_slice %add3A_201 {offsets = [0, 0], sizes = [4, 256], strides = [1, 1]} : vector<4x1024xf32> to vector<4x256xf32>
    %logistic3A_203 = arith.negf %slice3A_202 : vector<4x256xf32>
    %logistic3A_204 = math.exp %logistic3A_203 : vector<4x256xf32>
    %logistic3A_205 = arith.constant 1.000000e+00 : f32
    %logistic3A_206 = vector.broadcast %logistic3A_205 : f32 to vector<4x256xf32>
    %logistic3A_207 = arith.addf %logistic3A_206, %logistic3A_204 : vector<4x256xf32>
    %logistic3A_208 = arith.divf %logistic3A_206, %logistic3A_207 : vector<4x256xf32>
    %slice3A_209 = vector.extract_strided_slice %add3A_201 {offsets = [0, 256], sizes = [4, 256], strides = [1, 1]} : vector<4x1024xf32> to vector<4x256xf32>
    %logistic3A_210 = arith.negf %slice3A_209 : vector<4x256xf32>
    %logistic3A_211 = math.exp %logistic3A_210 : vector<4x256xf32>
    %logistic3A_212 = arith.constant 1.000000e+00 : f32
    %logistic3A_213 = vector.broadcast %logistic3A_212 : f32 to vector<4x256xf32>
    %logistic3A_214 = arith.addf %logistic3A_213, %logistic3A_211 : vector<4x256xf32>
    %logistic3A_215 = arith.divf %logistic3A_213, %logistic3A_214 : vector<4x256xf32>
    %slice3A_216 = vector.extract_strided_slice %add3A_201 {offsets = [0, 512], sizes = [4, 256], strides = [1, 1]} : vector<4x1024xf32> to vector<4x256xf32>
    %tanh3A_217 = math.tanh %slice3A_216 : vector<4x256xf32>
    %slice3A_218 = vector.extract_strided_slice %add3A_201 {offsets = [0, 768], sizes = [4, 256], strides = [1, 1]} : vector<4x1024xf32> to vector<4x256xf32>
    %logistic3A_219 = arith.negf %slice3A_218 : vector<4x256xf32>
    %logistic3A_220 = math.exp %logistic3A_219 : vector<4x256xf32>
    %logistic3A_221 = arith.constant 1.000000e+00 : f32
    %logistic3A_222 = vector.broadcast %logistic3A_221 : f32 to vector<4x256xf32>
    %logistic3A_223 = arith.addf %logistic3A_222, %logistic3A_220 : vector<4x256xf32>
    %logistic3A_224 = arith.divf %logistic3A_222, %logistic3A_223 : vector<4x256xf32>
    %mul3A_225 = arith.mulf %logistic3A_215, %add3A_141 : vector<4x256xf32>
    %mul3A_226 = arith.mulf %logistic3A_208, %tanh3A_217 : vector<4x256xf32>
    %add3A_227 = arith.addf %mul3A_225, %mul3A_226 : vector<4x256xf32>
    %tanh3A_228 = math.tanh %add3A_227 : vector<4x256xf32>
    %mul3A_229 = arith.mulf %logistic3A_224, %tanh3A_228 : vector<4x256xf32>
    %get3A_230 = arith.constant 5 : index
    %get3A_231 = arith.constant 0 : index
    %get3A_232 = arith.constant 0 : index
    %get3A_233 = vector.load %arg0[%get3A_230, %get3A_231, %get3A_232] : memref<8x4x64xf32, #tpu.memory_space<vmem>>, vector<1x4x64xf32>
    %get3A_234 = vector.shape_cast %get3A_233 : vector<1x4x64xf32> to vector<4x64xf32>
    %get3A_235 = arith.constant 0 : index
    %get3A_236 = arith.constant 0 : index
    %get3A_237 = vector.load %arg6[%get3A_235, %get3A_236] : memref<1x1024xf32, #tpu.memory_space<vmem>>, vector<1x1024xf32>
    %dot_general3A_238 = arith.constant dense<0.000000e+00> : vector<4x1024xf32>
    %dot_general3A_239 = tpu.matmul %get3A_234, %transpose3A_16, %dot_general3A_238 {dimension_numbers = #tpu.dot_dimension_numbers<[1], [0], [0], [1], [0, 0, 1, 1], [], []>, transpose_lhs_hint = false} : vector<4x64xf32>, vector<64x1024xf32>, vector<4x1024xf32> -> vector<4x1024xf32>
    %dot_general3A_240 = arith.constant dense<0.000000e+00> : vector<4x1024xf32>
    %dot_general3A_241 = tpu.matmul %mul3A_186, %transpose3A_20, %dot_general3A_240 {dimension_numbers = #tpu.dot_dimension_numbers<[1], [0], [0], [1], [0, 0, 1, 1], [], []>, transpose_lhs_hint = false} : vector<4x256xf32>, vector<256x1024xf32>, vector<4x1024xf32> -> vector<4x1024xf32>
    %add3A_242 = arith.addf %dot_general3A_239, %dot_general3A_241 : vector<4x1024xf32>
    %add3A_243 = vector.broadcast %get3A_237 : vector<1x1024xf32> to vector<4x1024xf32>
    %add3A_244 = arith.addf %add3A_242, %add3A_243 : vector<4x1024xf32>
    %slice3A_245 = vector.extract_strided_slice %add3A_244 {offsets = [0, 0], sizes = [4, 256], strides = [1, 1]} : vector<4x1024xf32> to vector<4x256xf32>
    %logistic3A_246 = arith.negf %slice3A_245 : vector<4x256xf32>
    %logistic3A_247 = math.exp %logistic3A_246 : vector<4x256xf32>
    %logistic3A_248 = arith.constant 1.000000e+00 : f32
    %logistic3A_249 = vector.broadcast %logistic3A_248 : f32 to vector<4x256xf32>
    %logistic3A_250 = arith.addf %logistic3A_249, %logistic3A_247 : vector<4x256xf32>
    %logistic3A_251 = arith.divf %logistic3A_249, %logistic3A_250 : vector<4x256xf32>
    %slice3A_252 = vector.extract_strided_slice %add3A_244 {offsets = [0, 256], sizes = [4, 256], strides = [1, 1]} : vector<4x1024xf32> to vector<4x256xf32>
    %logistic3A_253 = arith.negf %slice3A_252 : vector<4x256xf32>
    %logistic3A_254 = math.exp %logistic3A_253 : vector<4x256xf32>
    %logistic3A_255 = arith.constant 1.000000e+00 : f32
    %logistic3A_256 = vector.broadcast %logistic3A_255 : f32 to vector<4x256xf32>
    %logistic3A_257 = arith.addf %logistic3A_256, %logistic3A_254 : vector<4x256xf32>
    %logistic3A_258 = arith.divf %logistic3A_256, %logistic3A_257 : vector<4x256xf32>
    %slice3A_259 = vector.extract_strided_slice %add3A_244 {offsets = [0, 512], sizes = [4, 256], strides = [1, 1]} : vector<4x1024xf32> to vector<4x256xf32>
    %tanh3A_260 = math.tanh %slice3A_259 : vector<4x256xf32>
    %slice3A_261 = vector.extract_strided_slice %add3A_244 {offsets = [0, 768], sizes = [4, 256], strides = [1, 1]} : vector<4x1024xf32> to vector<4x256xf32>
    %logistic3A_262 = arith.negf %slice3A_261 : vector<4x256xf32>
    %logistic3A_263 = math.exp %logistic3A_262 : vector<4x256xf32>
    %logistic3A_264 = arith.constant 1.000000e+00 : f32
    %logistic3A_265 = vector.broadcast %logistic3A_264 : f32 to vector<4x256xf32>
    %logistic3A_266 = arith.addf %logistic3A_265, %logistic3A_263 : vector<4x256xf32>
    %logistic3A_267 = arith.divf %logistic3A_265, %logistic3A_266 : vector<4x256xf32>
    %mul3A_268 = arith.mulf %logistic3A_258, %add3A_184 : vector<4x256xf32>
    %mul3A_269 = arith.mulf %logistic3A_251, %tanh3A_260 : vector<4x256xf32>
    %add3A_270 = arith.addf %mul3A_268, %mul3A_269 : vector<4x256xf32>
    %tanh3A_271 = math.tanh %add3A_270 : vector<4x256xf32>
    %mul3A_272 = arith.mulf %logistic3A_267, %tanh3A_271 : vector<4x256xf32>
    %get3A_273 = arith.constant 3 : index
    %get3A_274 = arith.constant 0 : index
    %get3A_275 = arith.constant 0 : index
    %get3A_276 = vector.load %arg0[%get3A_273, %get3A_274, %get3A_275] : memref<8x4x64xf32, #tpu.memory_space<vmem>>, vector<1x4x64xf32>
    %get3A_277 = vector.shape_cast %get3A_276 : vector<1x4x64xf32> to vector<4x64xf32>
    %get3A_278 = arith.constant 0 : index
    %get3A_279 = arith.constant 0 : index
    %get3A_280 = vector.load %arg3[%get3A_278, %get3A_279] : memref<1x1024xf32, #tpu.memory_space<vmem>>, vector<1x1024xf32>
    %dot_general3A_281 = arith.constant dense<0.000000e+00> : vector<4x1024xf32>
    %dot_general3A_282 = tpu.matmul %get3A_277, %transpose3A, %dot_general3A_281 {dimension_numbers = #tpu.dot_dimension_numbers<[1], [0], [0], [1], [0, 0, 1, 1], [], []>, transpose_lhs_hint = false} : vector<4x64xf32>, vector<64x1024xf32>, vector<4x1024xf32> -> vector<4x1024xf32>
    %dot_general3A_283 = arith.constant dense<0.000000e+00> : vector<4x1024xf32>
    %dot_general3A_284 = tpu.matmul %mul3A_229, %transpose3A_12, %dot_general3A_283 {dimension_numbers = #tpu.dot_dimension_numbers<[1], [0], [0], [1], [0, 0, 1, 1], [], []>, transpose_lhs_hint = false} : vector<4x256xf32>, vector<256x1024xf32>, vector<4x1024xf32> -> vector<4x1024xf32>
    %add3A_285 = arith.addf %dot_general3A_282, %dot_general3A_284 : vector<4x1024xf32>
    %add3A_286 = vector.broadcast %get3A_280 : vector<1x1024xf32> to vector<4x1024xf32>
    %add3A_287 = arith.addf %add3A_285, %add3A_286 : vector<4x1024xf32>
    %slice3A_288 = vector.extract_strided_slice %add3A_287 {offsets = [0, 0], sizes = [4, 256], strides = [1, 1]} : vector<4x1024xf32> to vector<4x256xf32>
    %logistic3A_289 = arith.negf %slice3A_288 : vector<4x256xf32>
    %logistic3A_290 = math.exp %logistic3A_289 : vector<4x256xf32>
    %logistic3A_291 = arith.constant 1.000000e+00 : f32
    %logistic3A_292 = vector.broadcast %logistic3A_291 : f32 to vector<4x256xf32>
    %logistic3A_293 = arith.addf %logistic3A_292, %logistic3A_290 : vector<4x256xf32>
    %logistic3A_294 = arith.divf %logistic3A_292, %logistic3A_293 : vector<4x256xf32>
    %slice3A_295 = vector.extract_strided_slice %add3A_287 {offsets = [0, 256], sizes = [4, 256], strides = [1, 1]} : vector<4x1024xf32> to vector<4x256xf32>
    %logistic3A_296 = arith.negf %slice3A_295 : vector<4x256xf32>
    %logistic3A_297 = math.exp %logistic3A_296 : vector<4x256xf32>
    %logistic3A_298 = arith.constant 1.000000e+00 : f32
    %logistic3A_299 = vector.broadcast %logistic3A_298 : f32 to vector<4x256xf32>
    %logistic3A_300 = arith.addf %logistic3A_299, %logistic3A_297 : vector<4x256xf32>
    %logistic3A_301 = arith.divf %logistic3A_299, %logistic3A_300 : vector<4x256xf32>
    %slice3A_302 = vector.extract_strided_slice %add3A_287 {offsets = [0, 512], sizes = [4, 256], strides = [1, 1]} : vector<4x1024xf32> to vector<4x256xf32>
    %tanh3A_303 = math.tanh %slice3A_302 : vector<4x256xf32>
    %slice3A_304 = vector.extract_strided_slice %add3A_287 {offsets = [0, 768], sizes = [4, 256], strides = [1, 1]} : vector<4x1024xf32> to vector<4x256xf32>
    %logistic3A_305 = arith.negf %slice3A_304 : vector<4x256xf32>
    %logistic3A_306 = math.exp %logistic3A_305 : vector<4x256xf32>
    %logistic3A_307 = arith.constant 1.000000e+00 : f32
    %logistic3A_308 = vector.broadcast %logistic3A_307 : f32 to vector<4x256xf32>
    %logistic3A_309 = arith.addf %logistic3A_308, %logistic3A_306 : vector<4x256xf32>
    %logistic3A_310 = arith.divf %logistic3A_308, %logistic3A_309 : vector<4x256xf32>
    %mul3A_311 = arith.mulf %logistic3A_301, %add3A_227 : vector<4x256xf32>
    %mul3A_312 = arith.mulf %logistic3A_294, %tanh3A_303 : vector<4x256xf32>
    %add3A_313 = arith.addf %mul3A_311, %mul3A_312 : vector<4x256xf32>
    %tanh3A_314 = math.tanh %add3A_313 : vector<4x256xf32>
    %mul3A_315 = arith.mulf %logistic3A_310, %tanh3A_314 : vector<4x256xf32>
    %get3A_316 = arith.constant 4 : index
    %get3A_317 = arith.constant 0 : index
    %get3A_318 = arith.constant 0 : index
    %get3A_319 = vector.load %arg0[%get3A_316, %get3A_317, %get3A_318] : memref<8x4x64xf32, #tpu.memory_space<vmem>>, vector<1x4x64xf32>
    %get3A_320 = vector.shape_cast %get3A_319 : vector<1x4x64xf32> to vector<4x64xf32>
    %get3A_321 = arith.constant 0 : index
    %get3A_322 = arith.constant 0 : index
    %get3A_323 = vector.load %arg6[%get3A_321, %get3A_322] : memref<1x1024xf32, #tpu.memory_space<vmem>>, vector<1x1024xf32>
    %dot_general3A_324 = arith.constant dense<0.000000e+00> : vector<4x1024xf32>
    %dot_general3A_325 = tpu.matmul %get3A_320, %transpose3A_16, %dot_general3A_324 {dimension_numbers = #tpu.dot_dimension_numbers<[1], [0], [0], [1], [0, 0, 1, 1], [], []>, transpose_lhs_hint = false} : vector<4x64xf32>, vector<64x1024xf32>, vector<4x1024xf32> -> vector<4x1024xf32>
    %dot_general3A_326 = arith.constant dense<0.000000e+00> : vector<4x1024xf32>
    %dot_general3A_327 = tpu.matmul %mul3A_272, %transpose3A_20, %dot_general3A_326 {dimension_numbers = #tpu.dot_dimension_numbers<[1], [0], [0], [1], [0, 0, 1, 1], [], []>, transpose_lhs_hint = false} : vector<4x256xf32>, vector<256x1024xf32>, vector<4x1024xf32> -> vector<4x1024xf32>
    %add3A_328 = arith.addf %dot_general3A_325, %dot_general3A_327 : vector<4x1024xf32>
    %add3A_329 = vector.broadcast %get3A_323 : vector<1x1024xf32> to vector<4x1024xf32>
    %add3A_330 = arith.addf %add3A_328, %add3A_329 : vector<4x1024xf32>
    %slice3A_331 = vector.extract_strided_slice %add3A_330 {offsets = [0, 0], sizes = [4, 256], strides = [1, 1]} : vector<4x1024xf32> to vector<4x256xf32>
    %logistic3A_332 = arith.negf %slice3A_331 : vector<4x256xf32>
    %logistic3A_333 = math.exp %logistic3A_332 : vector<4x256xf32>
    %logistic3A_334 = arith.constant 1.000000e+00 : f32
    %logistic3A_335 = vector.broadcast %logistic3A_334 : f32 to vector<4x256xf32>
    %logistic3A_336 = arith.addf %logistic3A_335, %logistic3A_333 : vector<4x256xf32>
    %logistic3A_337 = arith.divf %logistic3A_335, %logistic3A_336 : vector<4x256xf32>
    %slice3A_338 = vector.extract_strided_slice %add3A_330 {offsets = [0, 256], sizes = [4, 256], strides = [1, 1]} : vector<4x1024xf32> to vector<4x256xf32>
    %logistic3A_339 = arith.negf %slice3A_338 : vector<4x256xf32>
    %logistic3A_340 = math.exp %logistic3A_339 : vector<4x256xf32>
    %logistic3A_341 = arith.constant 1.000000e+00 : f32
    %logistic3A_342 = vector.broadcast %logistic3A_341 : f32 to vector<4x256xf32>
    %logistic3A_343 = arith.addf %logistic3A_342, %logistic3A_340 : vector<4x256xf32>
    %logistic3A_344 = arith.divf %logistic3A_342, %logistic3A_343 : vector<4x256xf32>
    %slice3A_345 = vector.extract_strided_slice %add3A_330 {offsets = [0, 512], sizes = [4, 256], strides = [1, 1]} : vector<4x1024xf32> to vector<4x256xf32>
    %tanh3A_346 = math.tanh %slice3A_345 : vector<4x256xf32>
    %slice3A_347 = vector.extract_strided_slice %add3A_330 {offsets = [0, 768], sizes = [4, 256], strides = [1, 1]} : vector<4x1024xf32> to vector<4x256xf32>
    %logistic3A_348 = arith.negf %slice3A_347 : vector<4x256xf32>
    %logistic3A_349 = math.exp %logistic3A_348 : vector<4x256xf32>
    %logistic3A_350 = arith.constant 1.000000e+00 : f32
    %logistic3A_351 = vector.broadcast %logistic3A_350 : f32 to vector<4x256xf32>
    %logistic3A_352 = arith.addf %logistic3A_351, %logistic3A_349 : vector<4x256xf32>
    %logistic3A_353 = arith.divf %logistic3A_351, %logistic3A_352 : vector<4x256xf32>
    %mul3A_354 = arith.mulf %logistic3A_344, %add3A_270 : vector<4x256xf32>
    %mul3A_355 = arith.mulf %logistic3A_337, %tanh3A_346 : vector<4x256xf32>
    %add3A_356 = arith.addf %mul3A_354, %mul3A_355 : vector<4x256xf32>
    %tanh3A_357 = math.tanh %add3A_356 : vector<4x256xf32>
    %mul3A_358 = arith.mulf %logistic3A_353, %tanh3A_357 : vector<4x256xf32>
    %get3A_359 = arith.constant 4 : index
    %get3A_360 = arith.constant 0 : index
    %get3A_361 = arith.constant 0 : index
    %get3A_362 = vector.load %arg0[%get3A_359, %get3A_360, %get3A_361] : memref<8x4x64xf32, #tpu.memory_space<vmem>>, vector<1x4x64xf32>
    %get3A_363 = vector.shape_cast %get3A_362 : vector<1x4x64xf32> to vector<4x64xf32>
    %get3A_364 = arith.constant 0 : index
    %get3A_365 = arith.constant 0 : index
    %get3A_366 = vector.load %arg3[%get3A_364, %get3A_365] : memref<1x1024xf32, #tpu.memory_space<vmem>>, vector<1x1024xf32>
    %dot_general3A_367 = arith.constant dense<0.000000e+00> : vector<4x1024xf32>
    %dot_general3A_368 = tpu.matmul %get3A_363, %transpose3A, %dot_general3A_367 {dimension_numbers = #tpu.dot_dimension_numbers<[1], [0], [0], [1], [0, 0, 1, 1], [], []>, transpose_lhs_hint = false} : vector<4x64xf32>, vector<64x1024xf32>, vector<4x1024xf32> -> vector<4x1024xf32>
    %dot_general3A_369 = arith.constant dense<0.000000e+00> : vector<4x1024xf32>
    %dot_general3A_370 = tpu.matmul %mul3A_315, %transpose3A_12, %dot_general3A_369 {dimension_numbers = #tpu.dot_dimension_numbers<[1], [0], [0], [1], [0, 0, 1, 1], [], []>, transpose_lhs_hint = false} : vector<4x256xf32>, vector<256x1024xf32>, vector<4x1024xf32> -> vector<4x1024xf32>
    %add3A_371 = arith.addf %dot_general3A_368, %dot_general3A_370 : vector<4x1024xf32>
    %add3A_372 = vector.broadcast %get3A_366 : vector<1x1024xf32> to vector<4x1024xf32>
    %add3A_373 = arith.addf %add3A_371, %add3A_372 : vector<4x1024xf32>
    %slice3A_374 = vector.extract_strided_slice %add3A_373 {offsets = [0, 0], sizes = [4, 256], strides = [1, 1]} : vector<4x1024xf32> to vector<4x256xf32>
    %logistic3A_375 = arith.negf %slice3A_374 : vector<4x256xf32>
    %logistic3A_376 = math.exp %logistic3A_375 : vector<4x256xf32>
    %logistic3A_377 = arith.constant 1.000000e+00 : f32
    %logistic3A_378 = vector.broadcast %logistic3A_377 : f32 to vector<4x256xf32>
    %logistic3A_379 = arith.addf %logistic3A_378, %logistic3A_376 : vector<4x256xf32>
    %logistic3A_380 = arith.divf %logistic3A_378, %logistic3A_379 : vector<4x256xf32>
    %slice3A_381 = vector.extract_strided_slice %add3A_373 {offsets = [0, 256], sizes = [4, 256], strides = [1, 1]} : vector<4x1024xf32> to vector<4x256xf32>
    %logistic3A_382 = arith.negf %slice3A_381 : vector<4x256xf32>
    %logistic3A_383 = math.exp %logistic3A_382 : vector<4x256xf32>
    %logistic3A_384 = arith.constant 1.000000e+00 : f32
    %logistic3A_385 = vector.broadcast %logistic3A_384 : f32 to vector<4x256xf32>
    %logistic3A_386 = arith.addf %logistic3A_385, %logistic3A_383 : vector<4x256xf32>
    %logistic3A_387 = arith.divf %logistic3A_385, %logistic3A_386 : vector<4x256xf32>
    %slice3A_388 = vector.extract_strided_slice %add3A_373 {offsets = [0, 512], sizes = [4, 256], strides = [1, 1]} : vector<4x1024xf32> to vector<4x256xf32>
    %tanh3A_389 = math.tanh %slice3A_388 : vector<4x256xf32>
    %slice3A_390 = vector.extract_strided_slice %add3A_373 {offsets = [0, 768], sizes = [4, 256], strides = [1, 1]} : vector<4x1024xf32> to vector<4x256xf32>
    %logistic3A_391 = arith.negf %slice3A_390 : vector<4x256xf32>
    %logistic3A_392 = math.exp %logistic3A_391 : vector<4x256xf32>
    %logistic3A_393 = arith.constant 1.000000e+00 : f32
    %logistic3A_394 = vector.broadcast %logistic3A_393 : f32 to vector<4x256xf32>
    %logistic3A_395 = arith.addf %logistic3A_394, %logistic3A_392 : vector<4x256xf32>
    %logistic3A_396 = arith.divf %logistic3A_394, %logistic3A_395 : vector<4x256xf32>
    %mul3A_397 = arith.mulf %logistic3A_387, %add3A_313 : vector<4x256xf32>
    %mul3A_398 = arith.mulf %logistic3A_380, %tanh3A_389 : vector<4x256xf32>
    %add3A_399 = arith.addf %mul3A_397, %mul3A_398 : vector<4x256xf32>
    %tanh3A_400 = math.tanh %add3A_399 : vector<4x256xf32>
    %mul3A_401 = arith.mulf %logistic3A_396, %tanh3A_400 : vector<4x256xf32>
    %get3A_402 = arith.constant 3 : index
    %get3A_403 = arith.constant 0 : index
    %get3A_404 = arith.constant 0 : index
    %get3A_405 = vector.load %arg0[%get3A_402, %get3A_403, %get3A_404] : memref<8x4x64xf32, #tpu.memory_space<vmem>>, vector<1x4x64xf32>
    %get3A_406 = vector.shape_cast %get3A_405 : vector<1x4x64xf32> to vector<4x64xf32>
    %get3A_407 = arith.constant 0 : index
    %get3A_408 = arith.constant 0 : index
    %get3A_409 = vector.load %arg6[%get3A_407, %get3A_408] : memref<1x1024xf32, #tpu.memory_space<vmem>>, vector<1x1024xf32>
    %dot_general3A_410 = arith.constant dense<0.000000e+00> : vector<4x1024xf32>
    %dot_general3A_411 = tpu.matmul %get3A_406, %transpose3A_16, %dot_general3A_410 {dimension_numbers = #tpu.dot_dimension_numbers<[1], [0], [0], [1], [0, 0, 1, 1], [], []>, transpose_lhs_hint = false} : vector<4x64xf32>, vector<64x1024xf32>, vector<4x1024xf32> -> vector<4x1024xf32>
    %dot_general3A_412 = arith.constant dense<0.000000e+00> : vector<4x1024xf32>
    %dot_general3A_413 = tpu.matmul %mul3A_358, %transpose3A_20, %dot_general3A_412 {dimension_numbers = #tpu.dot_dimension_numbers<[1], [0], [0], [1], [0, 0, 1, 1], [], []>, transpose_lhs_hint = false} : vector<4x256xf32>, vector<256x1024xf32>, vector<4x1024xf32> -> vector<4x1024xf32>
    %add3A_414 = arith.addf %dot_general3A_411, %dot_general3A_413 : vector<4x1024xf32>
    %add3A_415 = vector.broadcast %get3A_409 : vector<1x1024xf32> to vector<4x1024xf32>
    %add3A_416 = arith.addf %add3A_414, %add3A_415 : vector<4x1024xf32>
    %slice3A_417 = vector.extract_strided_slice %add3A_416 {offsets = [0, 0], sizes = [4, 256], strides = [1, 1]} : vector<4x1024xf32> to vector<4x256xf32>
    %logistic3A_418 = arith.negf %slice3A_417 : vector<4x256xf32>
    %logistic3A_419 = math.exp %logistic3A_418 : vector<4x256xf32>
    %logistic3A_420 = arith.constant 1.000000e+00 : f32
    %logistic3A_421 = vector.broadcast %logistic3A_420 : f32 to vector<4x256xf32>
    %logistic3A_422 = arith.addf %logistic3A_421, %logistic3A_419 : vector<4x256xf32>
    %logistic3A_423 = arith.divf %logistic3A_421, %logistic3A_422 : vector<4x256xf32>
    %slice3A_424 = vector.extract_strided_slice %add3A_416 {offsets = [0, 256], sizes = [4, 256], strides = [1, 1]} : vector<4x1024xf32> to vector<4x256xf32>
    %logistic3A_425 = arith.negf %slice3A_424 : vector<4x256xf32>
    %logistic3A_426 = math.exp %logistic3A_425 : vector<4x256xf32>
    %logistic3A_427 = arith.constant 1.000000e+00 : f32
    %logistic3A_428 = vector.broadcast %logistic3A_427 : f32 to vector<4x256xf32>
    %logistic3A_429 = arith.addf %logistic3A_428, %logistic3A_426 : vector<4x256xf32>
    %logistic3A_430 = arith.divf %logistic3A_428, %logistic3A_429 : vector<4x256xf32>
    %slice3A_431 = vector.extract_strided_slice %add3A_416 {offsets = [0, 512], sizes = [4, 256], strides = [1, 1]} : vector<4x1024xf32> to vector<4x256xf32>
    %tanh3A_432 = math.tanh %slice3A_431 : vector<4x256xf32>
    %slice3A_433 = vector.extract_strided_slice %add3A_416 {offsets = [0, 768], sizes = [4, 256], strides = [1, 1]} : vector<4x1024xf32> to vector<4x256xf32>
    %logistic3A_434 = arith.negf %slice3A_433 : vector<4x256xf32>
    %logistic3A_435 = math.exp %logistic3A_434 : vector<4x256xf32>
    %logistic3A_436 = arith.constant 1.000000e+00 : f32
    %logistic3A_437 = vector.broadcast %logistic3A_436 : f32 to vector<4x256xf32>
    %logistic3A_438 = arith.addf %logistic3A_437, %logistic3A_435 : vector<4x256xf32>
    %logistic3A_439 = arith.divf %logistic3A_437, %logistic3A_438 : vector<4x256xf32>
    %mul3A_440 = arith.mulf %logistic3A_430, %add3A_356 : vector<4x256xf32>
    %mul3A_441 = arith.mulf %logistic3A_423, %tanh3A_432 : vector<4x256xf32>
    %add3A_442 = arith.addf %mul3A_440, %mul3A_441 : vector<4x256xf32>
    %tanh3A_443 = math.tanh %add3A_442 : vector<4x256xf32>
    %mul3A_444 = arith.mulf %logistic3A_439, %tanh3A_443 : vector<4x256xf32>
    %get3A_445 = arith.constant 5 : index
    %get3A_446 = arith.constant 0 : index
    %get3A_447 = arith.constant 0 : index
    %get3A_448 = vector.load %arg0[%get3A_445, %get3A_446, %get3A_447] : memref<8x4x64xf32, #tpu.memory_space<vmem>>, vector<1x4x64xf32>
    %get3A_449 = vector.shape_cast %get3A_448 : vector<1x4x64xf32> to vector<4x64xf32>
    %get3A_450 = arith.constant 0 : index
    %get3A_451 = arith.constant 0 : index
    %get3A_452 = vector.load %arg3[%get3A_450, %get3A_451] : memref<1x1024xf32, #tpu.memory_space<vmem>>, vector<1x1024xf32>
    %dot_general3A_453 = arith.constant dense<0.000000e+00> : vector<4x1024xf32>
    %dot_general3A_454 = tpu.matmul %get3A_449, %transpose3A, %dot_general3A_453 {dimension_numbers = #tpu.dot_dimension_numbers<[1], [0], [0], [1], [0, 0, 1, 1], [], []>, transpose_lhs_hint = false} : vector<4x64xf32>, vector<64x1024xf32>, vector<4x1024xf32> -> vector<4x1024xf32>
    %dot_general3A_455 = arith.constant dense<0.000000e+00> : vector<4x1024xf32>
    %dot_general3A_456 = tpu.matmul %mul3A_401, %transpose3A_12, %dot_general3A_455 {dimension_numbers = #tpu.dot_dimension_numbers<[1], [0], [0], [1], [0, 0, 1, 1], [], []>, transpose_lhs_hint = false} : vector<4x256xf32>, vector<256x1024xf32>, vector<4x1024xf32> -> vector<4x1024xf32>
    %add3A_457 = arith.addf %dot_general3A_454, %dot_general3A_456 : vector<4x1024xf32>
    %add3A_458 = vector.broadcast %get3A_452 : vector<1x1024xf32> to vector<4x1024xf32>
    %add3A_459 = arith.addf %add3A_457, %add3A_458 : vector<4x1024xf32>
    %slice3A_460 = vector.extract_strided_slice %add3A_459 {offsets = [0, 0], sizes = [4, 256], strides = [1, 1]} : vector<4x1024xf32> to vector<4x256xf32>
    %logistic3A_461 = arith.negf %slice3A_460 : vector<4x256xf32>
    %logistic3A_462 = math.exp %logistic3A_461 : vector<4x256xf32>
    %logistic3A_463 = arith.constant 1.000000e+00 : f32
    %logistic3A_464 = vector.broadcast %logistic3A_463 : f32 to vector<4x256xf32>
    %logistic3A_465 = arith.addf %logistic3A_464, %logistic3A_462 : vector<4x256xf32>
    %logistic3A_466 = arith.divf %logistic3A_464, %logistic3A_465 : vector<4x256xf32>
    %slice3A_467 = vector.extract_strided_slice %add3A_459 {offsets = [0, 256], sizes = [4, 256], strides = [1, 1]} : vector<4x1024xf32> to vector<4x256xf32>
    %logistic3A_468 = arith.negf %slice3A_467 : vector<4x256xf32>
    %logistic3A_469 = math.exp %logistic3A_468 : vector<4x256xf32>
    %logistic3A_470 = arith.constant 1.000000e+00 : f32
    %logistic3A_471 = vector.broadcast %logistic3A_470 : f32 to vector<4x256xf32>
    %logistic3A_472 = arith.addf %logistic3A_471, %logistic3A_469 : vector<4x256xf32>
    %logistic3A_473 = arith.divf %logistic3A_471, %logistic3A_472 : vector<4x256xf32>
    %slice3A_474 = vector.extract_strided_slice %add3A_459 {offsets = [0, 512], sizes = [4, 256], strides = [1, 1]} : vector<4x1024xf32> to vector<4x256xf32>
    %tanh3A_475 = math.tanh %slice3A_474 : vector<4x256xf32>
    %slice3A_476 = vector.extract_strided_slice %add3A_459 {offsets = [0, 768], sizes = [4, 256], strides = [1, 1]} : vector<4x1024xf32> to vector<4x256xf32>
    %logistic3A_477 = arith.negf %slice3A_476 : vector<4x256xf32>
    %logistic3A_478 = math.exp %logistic3A_477 : vector<4x256xf32>
    %logistic3A_479 = arith.constant 1.000000e+00 : f32
    %logistic3A_480 = vector.broadcast %logistic3A_479 : f32 to vector<4x256xf32>
    %logistic3A_481 = arith.addf %logistic3A_480, %logistic3A_478 : vector<4x256xf32>
    %logistic3A_482 = arith.divf %logistic3A_480, %logistic3A_481 : vector<4x256xf32>
    %mul3A_483 = arith.mulf %logistic3A_473, %add3A_399 : vector<4x256xf32>
    %mul3A_484 = arith.mulf %logistic3A_466, %tanh3A_475 : vector<4x256xf32>
    %add3A_485 = arith.addf %mul3A_483, %mul3A_484 : vector<4x256xf32>
    %tanh3A_486 = math.tanh %add3A_485 : vector<4x256xf32>
    %mul3A_487 = arith.mulf %logistic3A_482, %tanh3A_486 : vector<4x256xf32>
    %get3A_488 = arith.constant 2 : index
    %get3A_489 = arith.constant 0 : index
    %get3A_490 = arith.constant 0 : index
    %get3A_491 = vector.load %arg0[%get3A_488, %get3A_489, %get3A_490] : memref<8x4x64xf32, #tpu.memory_space<vmem>>, vector<1x4x64xf32>
    %get3A_492 = vector.shape_cast %get3A_491 : vector<1x4x64xf32> to vector<4x64xf32>
    %get3A_493 = arith.constant 0 : index
    %get3A_494 = arith.constant 0 : index
    %get3A_495 = vector.load %arg6[%get3A_493, %get3A_494] : memref<1x1024xf32, #tpu.memory_space<vmem>>, vector<1x1024xf32>
    %dot_general3A_496 = arith.constant dense<0.000000e+00> : vector<4x1024xf32>
    %dot_general3A_497 = tpu.matmul %get3A_492, %transpose3A_16, %dot_general3A_496 {dimension_numbers = #tpu.dot_dimension_numbers<[1], [0], [0], [1], [0, 0, 1, 1], [], []>, transpose_lhs_hint = false} : vector<4x64xf32>, vector<64x1024xf32>, vector<4x1024xf32> -> vector<4x1024xf32>
    %dot_general3A_498 = arith.constant dense<0.000000e+00> : vector<4x1024xf32>
    %dot_general3A_499 = tpu.matmul %mul3A_444, %transpose3A_20, %dot_general3A_498 {dimension_numbers = #tpu.dot_dimension_numbers<[1], [0], [0], [1], [0, 0, 1, 1], [], []>, transpose_lhs_hint = false} : vector<4x256xf32>, vector<256x1024xf32>, vector<4x1024xf32> -> vector<4x1024xf32>
    %add3A_500 = arith.addf %dot_general3A_497, %dot_general3A_499 : vector<4x1024xf32>
    %add3A_501 = vector.broadcast %get3A_495 : vector<1x1024xf32> to vector<4x1024xf32>
    %add3A_502 = arith.addf %add3A_500, %add3A_501 : vector<4x1024xf32>
    %slice3A_503 = vector.extract_strided_slice %add3A_502 {offsets = [0, 0], sizes = [4, 256], strides = [1, 1]} : vector<4x1024xf32> to vector<4x256xf32>
    %logistic3A_504 = arith.negf %slice3A_503 : vector<4x256xf32>
    %logistic3A_505 = math.exp %logistic3A_504 : vector<4x256xf32>
    %logistic3A_506 = arith.constant 1.000000e+00 : f32
    %logistic3A_507 = vector.broadcast %logistic3A_506 : f32 to vector<4x256xf32>
    %logistic3A_508 = arith.addf %logistic3A_507, %logistic3A_505 : vector<4x256xf32>
    %logistic3A_509 = arith.divf %logistic3A_507, %logistic3A_508 : vector<4x256xf32>
    %slice3A_510 = vector.extract_strided_slice %add3A_502 {offsets = [0, 256], sizes = [4, 256], strides = [1, 1]} : vector<4x1024xf32> to vector<4x256xf32>
    %logistic3A_511 = arith.negf %slice3A_510 : vector<4x256xf32>
    %logistic3A_512 = math.exp %logistic3A_511 : vector<4x256xf32>
    %logistic3A_513 = arith.constant 1.000000e+00 : f32
    %logistic3A_514 = vector.broadcast %logistic3A_513 : f32 to vector<4x256xf32>
    %logistic3A_515 = arith.addf %logistic3A_514, %logistic3A_512 : vector<4x256xf32>
    %logistic3A_516 = arith.divf %logistic3A_514, %logistic3A_515 : vector<4x256xf32>
    %slice3A_517 = vector.extract_strided_slice %add3A_502 {offsets = [0, 512], sizes = [4, 256], strides = [1, 1]} : vector<4x1024xf32> to vector<4x256xf32>
    %tanh3A_518 = math.tanh %slice3A_517 : vector<4x256xf32>
    %slice3A_519 = vector.extract_strided_slice %add3A_502 {offsets = [0, 768], sizes = [4, 256], strides = [1, 1]} : vector<4x1024xf32> to vector<4x256xf32>
    %logistic3A_520 = arith.negf %slice3A_519 : vector<4x256xf32>
    %logistic3A_521 = math.exp %logistic3A_520 : vector<4x256xf32>
    %logistic3A_522 = arith.constant 1.000000e+00 : f32
    %logistic3A_523 = vector.broadcast %logistic3A_522 : f32 to vector<4x256xf32>
    %logistic3A_524 = arith.addf %logistic3A_523, %logistic3A_521 : vector<4x256xf32>
    %logistic3A_525 = arith.divf %logistic3A_523, %logistic3A_524 : vector<4x256xf32>
    %mul3A_526 = arith.mulf %logistic3A_516, %add3A_442 : vector<4x256xf32>
    %mul3A_527 = arith.mulf %logistic3A_509, %tanh3A_518 : vector<4x256xf32>
    %add3A_528 = arith.addf %mul3A_526, %mul3A_527 : vector<4x256xf32>
    %tanh3A_529 = math.tanh %add3A_528 : vector<4x256xf32>
    %mul3A_530 = arith.mulf %logistic3A_525, %tanh3A_529 : vector<4x256xf32>
    %get3A_531 = arith.constant 6 : index
    %get3A_532 = arith.constant 0 : index
    %get3A_533 = arith.constant 0 : index
    %get3A_534 = vector.load %arg0[%get3A_531, %get3A_532, %get3A_533] : memref<8x4x64xf32, #tpu.memory_space<vmem>>, vector<1x4x64xf32>
    %get3A_535 = vector.shape_cast %get3A_534 : vector<1x4x64xf32> to vector<4x64xf32>
    %get3A_536 = arith.constant 0 : index
    %get3A_537 = arith.constant 0 : index
    %get3A_538 = vector.load %arg3[%get3A_536, %get3A_537] : memref<1x1024xf32, #tpu.memory_space<vmem>>, vector<1x1024xf32>
    %dot_general3A_539 = arith.constant dense<0.000000e+00> : vector<4x1024xf32>
    %dot_general3A_540 = tpu.matmul %get3A_535, %transpose3A, %dot_general3A_539 {dimension_numbers = #tpu.dot_dimension_numbers<[1], [0], [0], [1], [0, 0, 1, 1], [], []>, transpose_lhs_hint = false} : vector<4x64xf32>, vector<64x1024xf32>, vector<4x1024xf32> -> vector<4x1024xf32>
    %dot_general3A_541 = arith.constant dense<0.000000e+00> : vector<4x1024xf32>
    %dot_general3A_542 = tpu.matmul %mul3A_487, %transpose3A_12, %dot_general3A_541 {dimension_numbers = #tpu.dot_dimension_numbers<[1], [0], [0], [1], [0, 0, 1, 1], [], []>, transpose_lhs_hint = false} : vector<4x256xf32>, vector<256x1024xf32>, vector<4x1024xf32> -> vector<4x1024xf32>
    %add3A_543 = arith.addf %dot_general3A_540, %dot_general3A_542 : vector<4x1024xf32>
    %add3A_544 = vector.broadcast %get3A_538 : vector<1x1024xf32> to vector<4x1024xf32>
    %add3A_545 = arith.addf %add3A_543, %add3A_544 : vector<4x1024xf32>
    %slice3A_546 = vector.extract_strided_slice %add3A_545 {offsets = [0, 0], sizes = [4, 256], strides = [1, 1]} : vector<4x1024xf32> to vector<4x256xf32>
    %logistic3A_547 = arith.negf %slice3A_546 : vector<4x256xf32>
    %logistic3A_548 = math.exp %logistic3A_547 : vector<4x256xf32>
    %logistic3A_549 = arith.constant 1.000000e+00 : f32
    %logistic3A_550 = vector.broadcast %logistic3A_549 : f32 to vector<4x256xf32>
    %logistic3A_551 = arith.addf %logistic3A_550, %logistic3A_548 : vector<4x256xf32>
    %logistic3A_552 = arith.divf %logistic3A_550, %logistic3A_551 : vector<4x256xf32>
    %slice3A_553 = vector.extract_strided_slice %add3A_545 {offsets = [0, 256], sizes = [4, 256], strides = [1, 1]} : vector<4x1024xf32> to vector<4x256xf32>
    %logistic3A_554 = arith.negf %slice3A_553 : vector<4x256xf32>
    %logistic3A_555 = math.exp %logistic3A_554 : vector<4x256xf32>
    %logistic3A_556 = arith.constant 1.000000e+00 : f32
    %logistic3A_557 = vector.broadcast %logistic3A_556 : f32 to vector<4x256xf32>
    %logistic3A_558 = arith.addf %logistic3A_557, %logistic3A_555 : vector<4x256xf32>
    %logistic3A_559 = arith.divf %logistic3A_557, %logistic3A_558 : vector<4x256xf32>
    %slice3A_560 = vector.extract_strided_slice %add3A_545 {offsets = [0, 512], sizes = [4, 256], strides = [1, 1]} : vector<4x1024xf32> to vector<4x256xf32>
    %tanh3A_561 = math.tanh %slice3A_560 : vector<4x256xf32>
    %slice3A_562 = vector.extract_strided_slice %add3A_545 {offsets = [0, 768], sizes = [4, 256], strides = [1, 1]} : vector<4x1024xf32> to vector<4x256xf32>
    %logistic3A_563 = arith.negf %slice3A_562 : vector<4x256xf32>
    %logistic3A_564 = math.exp %logistic3A_563 : vector<4x256xf32>
    %logistic3A_565 = arith.constant 1.000000e+00 : f32
    %logistic3A_566 = vector.broadcast %logistic3A_565 : f32 to vector<4x256xf32>
    %logistic3A_567 = arith.addf %logistic3A_566, %logistic3A_564 : vector<4x256xf32>
    %logistic3A_568 = arith.divf %logistic3A_566, %logistic3A_567 : vector<4x256xf32>
    %mul3A_569 = arith.mulf %logistic3A_559, %add3A_485 : vector<4x256xf32>
    %mul3A_570 = arith.mulf %logistic3A_552, %tanh3A_561 : vector<4x256xf32>
    %add3A_571 = arith.addf %mul3A_569, %mul3A_570 : vector<4x256xf32>
    %tanh3A_572 = math.tanh %add3A_571 : vector<4x256xf32>
    %mul3A_573 = arith.mulf %logistic3A_568, %tanh3A_572 : vector<4x256xf32>
    %get3A_574 = arith.constant 1 : index
    %get3A_575 = arith.constant 0 : index
    %get3A_576 = arith.constant 0 : index
    %get3A_577 = vector.load %arg0[%get3A_574, %get3A_575, %get3A_576] : memref<8x4x64xf32, #tpu.memory_space<vmem>>, vector<1x4x64xf32>
    %get3A_578 = vector.shape_cast %get3A_577 : vector<1x4x64xf32> to vector<4x64xf32>
    %get3A_579 = arith.constant 0 : index
    %get3A_580 = arith.constant 0 : index
    %get3A_581 = vector.load %arg6[%get3A_579, %get3A_580] : memref<1x1024xf32, #tpu.memory_space<vmem>>, vector<1x1024xf32>
    %dot_general3A_582 = arith.constant dense<0.000000e+00> : vector<4x1024xf32>
    %dot_general3A_583 = tpu.matmul %get3A_578, %transpose3A_16, %dot_general3A_582 {dimension_numbers = #tpu.dot_dimension_numbers<[1], [0], [0], [1], [0, 0, 1, 1], [], []>, transpose_lhs_hint = false} : vector<4x64xf32>, vector<64x1024xf32>, vector<4x1024xf32> -> vector<4x1024xf32>
    %dot_general3A_584 = arith.constant dense<0.000000e+00> : vector<4x1024xf32>
    %dot_general3A_585 = tpu.matmul %mul3A_530, %transpose3A_20, %dot_general3A_584 {dimension_numbers = #tpu.dot_dimension_numbers<[1], [0], [0], [1], [0, 0, 1, 1], [], []>, transpose_lhs_hint = false} : vector<4x256xf32>, vector<256x1024xf32>, vector<4x1024xf32> -> vector<4x1024xf32>
    %add3A_586 = arith.addf %dot_general3A_583, %dot_general3A_585 : vector<4x1024xf32>
    %add3A_587 = vector.broadcast %get3A_581 : vector<1x1024xf32> to vector<4x1024xf32>
    %add3A_588 = arith.addf %add3A_586, %add3A_587 : vector<4x1024xf32>
    %slice3A_589 = vector.extract_strided_slice %add3A_588 {offsets = [0, 0], sizes = [4, 256], strides = [1, 1]} : vector<4x1024xf32> to vector<4x256xf32>
    %logistic3A_590 = arith.negf %slice3A_589 : vector<4x256xf32>
    %logistic3A_591 = math.exp %logistic3A_590 : vector<4x256xf32>
    %logistic3A_592 = arith.constant 1.000000e+00 : f32
    %logistic3A_593 = vector.broadcast %logistic3A_592 : f32 to vector<4x256xf32>
    %logistic3A_594 = arith.addf %logistic3A_593, %logistic3A_591 : vector<4x256xf32>
    %logistic3A_595 = arith.divf %logistic3A_593, %logistic3A_594 : vector<4x256xf32>
    %slice3A_596 = vector.extract_strided_slice %add3A_588 {offsets = [0, 256], sizes = [4, 256], strides = [1, 1]} : vector<4x1024xf32> to vector<4x256xf32>
    %logistic3A_597 = arith.negf %slice3A_596 : vector<4x256xf32>
    %logistic3A_598 = math.exp %logistic3A_597 : vector<4x256xf32>
    %logistic3A_599 = arith.constant 1.000000e+00 : f32
    %logistic3A_600 = vector.broadcast %logistic3A_599 : f32 to vector<4x256xf32>
    %logistic3A_601 = arith.addf %logistic3A_600, %logistic3A_598 : vector<4x256xf32>
    %logistic3A_602 = arith.divf %logistic3A_600, %logistic3A_601 : vector<4x256xf32>
    %slice3A_603 = vector.extract_strided_slice %add3A_588 {offsets = [0, 512], sizes = [4, 256], strides = [1, 1]} : vector<4x1024xf32> to vector<4x256xf32>
    %tanh3A_604 = math.tanh %slice3A_603 : vector<4x256xf32>
    %slice3A_605 = vector.extract_strided_slice %add3A_588 {offsets = [0, 768], sizes = [4, 256], strides = [1, 1]} : vector<4x1024xf32> to vector<4x256xf32>
    %logistic3A_606 = arith.negf %slice3A_605 : vector<4x256xf32>
    %logistic3A_607 = math.exp %logistic3A_606 : vector<4x256xf32>
    %logistic3A_608 = arith.constant 1.000000e+00 : f32
    %logistic3A_609 = vector.broadcast %logistic3A_608 : f32 to vector<4x256xf32>
    %logistic3A_610 = arith.addf %logistic3A_609, %logistic3A_607 : vector<4x256xf32>
    %logistic3A_611 = arith.divf %logistic3A_609, %logistic3A_610 : vector<4x256xf32>
    %mul3A_612 = arith.mulf %logistic3A_602, %add3A_528 : vector<4x256xf32>
    %mul3A_613 = arith.mulf %logistic3A_595, %tanh3A_604 : vector<4x256xf32>
    %add3A_614 = arith.addf %mul3A_612, %mul3A_613 : vector<4x256xf32>
    %tanh3A_615 = math.tanh %add3A_614 : vector<4x256xf32>
    %mul3A_616 = arith.mulf %logistic3A_611, %tanh3A_615 : vector<4x256xf32>
    %get3A_617 = arith.constant 7 : index
    %get3A_618 = arith.constant 0 : index
    %get3A_619 = arith.constant 0 : index
    %get3A_620 = vector.load %arg0[%get3A_617, %get3A_618, %get3A_619] : memref<8x4x64xf32, #tpu.memory_space<vmem>>, vector<1x4x64xf32>
    %get3A_621 = vector.shape_cast %get3A_620 : vector<1x4x64xf32> to vector<4x64xf32>
    %get3A_622 = arith.constant 0 : index
    %get3A_623 = arith.constant 0 : index
    %get3A_624 = vector.load %arg3[%get3A_622, %get3A_623] : memref<1x1024xf32, #tpu.memory_space<vmem>>, vector<1x1024xf32>
    %dot_general3A_625 = arith.constant dense<0.000000e+00> : vector<4x1024xf32>
    %dot_general3A_626 = tpu.matmul %get3A_621, %transpose3A, %dot_general3A_625 {dimension_numbers = #tpu.dot_dimension_numbers<[1], [0], [0], [1], [0, 0, 1, 1], [], []>, transpose_lhs_hint = false} : vector<4x64xf32>, vector<64x1024xf32>, vector<4x1024xf32> -> vector<4x1024xf32>
    %dot_general3A_627 = arith.constant dense<0.000000e+00> : vector<4x1024xf32>
    %dot_general3A_628 = tpu.matmul %mul3A_573, %transpose3A_12, %dot_general3A_627 {dimension_numbers = #tpu.dot_dimension_numbers<[1], [0], [0], [1], [0, 0, 1, 1], [], []>, transpose_lhs_hint = false} : vector<4x256xf32>, vector<256x1024xf32>, vector<4x1024xf32> -> vector<4x1024xf32>
    %add3A_629 = arith.addf %dot_general3A_626, %dot_general3A_628 : vector<4x1024xf32>
    %add3A_630 = vector.broadcast %get3A_624 : vector<1x1024xf32> to vector<4x1024xf32>
    %add3A_631 = arith.addf %add3A_629, %add3A_630 : vector<4x1024xf32>
    %slice3A_632 = vector.extract_strided_slice %add3A_631 {offsets = [0, 0], sizes = [4, 256], strides = [1, 1]} : vector<4x1024xf32> to vector<4x256xf32>
    %logistic3A_633 = arith.negf %slice3A_632 : vector<4x256xf32>
    %logistic3A_634 = math.exp %logistic3A_633 : vector<4x256xf32>
    %logistic3A_635 = arith.constant 1.000000e+00 : f32
    %logistic3A_636 = vector.broadcast %logistic3A_635 : f32 to vector<4x256xf32>
    %logistic3A_637 = arith.addf %logistic3A_636, %logistic3A_634 : vector<4x256xf32>
    %logistic3A_638 = arith.divf %logistic3A_636, %logistic3A_637 : vector<4x256xf32>
    %slice3A_639 = vector.extract_strided_slice %add3A_631 {offsets = [0, 256], sizes = [4, 256], strides = [1, 1]} : vector<4x1024xf32> to vector<4x256xf32>
    %logistic3A_640 = arith.negf %slice3A_639 : vector<4x256xf32>
    %logistic3A_641 = math.exp %logistic3A_640 : vector<4x256xf32>
    %logistic3A_642 = arith.constant 1.000000e+00 : f32
    %logistic3A_643 = vector.broadcast %logistic3A_642 : f32 to vector<4x256xf32>
    %logistic3A_644 = arith.addf %logistic3A_643, %logistic3A_641 : vector<4x256xf32>
    %logistic3A_645 = arith.divf %logistic3A_643, %logistic3A_644 : vector<4x256xf32>
    %slice3A_646 = vector.extract_strided_slice %add3A_631 {offsets = [0, 512], sizes = [4, 256], strides = [1, 1]} : vector<4x1024xf32> to vector<4x256xf32>
    %tanh3A_647 = math.tanh %slice3A_646 : vector<4x256xf32>
    %slice3A_648 = vector.extract_strided_slice %add3A_631 {offsets = [0, 768], sizes = [4, 256], strides = [1, 1]} : vector<4x1024xf32> to vector<4x256xf32>
    %logistic3A_649 = arith.negf %slice3A_648 : vector<4x256xf32>
    %logistic3A_650 = math.exp %logistic3A_649 : vector<4x256xf32>
    %logistic3A_651 = arith.constant 1.000000e+00 : f32
    %logistic3A_652 = vector.broadcast %logistic3A_651 : f32 to vector<4x256xf32>
    %logistic3A_653 = arith.addf %logistic3A_652, %logistic3A_650 : vector<4x256xf32>
    %logistic3A_654 = arith.divf %logistic3A_652, %logistic3A_653 : vector<4x256xf32>
    %mul3A_655 = arith.mulf %logistic3A_645, %add3A_571 : vector<4x256xf32>
    %mul3A_656 = arith.mulf %logistic3A_638, %tanh3A_647 : vector<4x256xf32>
    %add3A_657 = arith.addf %mul3A_655, %mul3A_656 : vector<4x256xf32>
    %tanh3A_658 = math.tanh %add3A_657 : vector<4x256xf32>
    %mul3A_659 = arith.mulf %logistic3A_654, %tanh3A_658 : vector<4x256xf32>
    %get3A_660 = arith.constant 0 : index
    %get3A_661 = arith.constant 0 : index
    %get3A_662 = arith.constant 0 : index
    %get3A_663 = vector.load %arg0[%get3A_660, %get3A_661, %get3A_662] : memref<8x4x64xf32, #tpu.memory_space<vmem>>, vector<1x4x64xf32>
    %get3A_664 = vector.shape_cast %get3A_663 : vector<1x4x64xf32> to vector<4x64xf32>
    %get3A_665 = arith.constant 0 : index
    %get3A_666 = arith.constant 0 : index
    %get3A_667 = vector.load %arg6[%get3A_665, %get3A_666] : memref<1x1024xf32, #tpu.memory_space<vmem>>, vector<1x1024xf32>
    %dot_general3A_668 = arith.constant dense<0.000000e+00> : vector<4x1024xf32>
    %dot_general3A_669 = tpu.matmul %get3A_664, %transpose3A_16, %dot_general3A_668 {dimension_numbers = #tpu.dot_dimension_numbers<[1], [0], [0], [1], [0, 0, 1, 1], [], []>, transpose_lhs_hint = false} : vector<4x64xf32>, vector<64x1024xf32>, vector<4x1024xf32> -> vector<4x1024xf32>
    %dot_general3A_670 = arith.constant dense<0.000000e+00> : vector<4x1024xf32>
    %dot_general3A_671 = tpu.matmul %mul3A_616, %transpose3A_20, %dot_general3A_670 {dimension_numbers = #tpu.dot_dimension_numbers<[1], [0], [0], [1], [0, 0, 1, 1], [], []>, transpose_lhs_hint = false} : vector<4x256xf32>, vector<256x1024xf32>, vector<4x1024xf32> -> vector<4x1024xf32>
    %add3A_672 = arith.addf %dot_general3A_669, %dot_general3A_671 : vector<4x1024xf32>
    %add3A_673 = vector.broadcast %get3A_667 : vector<1x1024xf32> to vector<4x1024xf32>
    %add3A_674 = arith.addf %add3A_672, %add3A_673 : vector<4x1024xf32>
    %slice3A_675 = vector.extract_strided_slice %add3A_674 {offsets = [0, 0], sizes = [4, 256], strides = [1, 1]} : vector<4x1024xf32> to vector<4x256xf32>
    %logistic3A_676 = arith.negf %slice3A_675 : vector<4x256xf32>
    %logistic3A_677 = math.exp %logistic3A_676 : vector<4x256xf32>
    %logistic3A_678 = arith.constant 1.000000e+00 : f32
    %logistic3A_679 = vector.broadcast %logistic3A_678 : f32 to vector<4x256xf32>
    %logistic3A_680 = arith.addf %logistic3A_679, %logistic3A_677 : vector<4x256xf32>
    %logistic3A_681 = arith.divf %logistic3A_679, %logistic3A_680 : vector<4x256xf32>
    %slice3A_682 = vector.extract_strided_slice %add3A_674 {offsets = [0, 256], sizes = [4, 256], strides = [1, 1]} : vector<4x1024xf32> to vector<4x256xf32>
    %logistic3A_683 = arith.negf %slice3A_682 : vector<4x256xf32>
    %logistic3A_684 = math.exp %logistic3A_683 : vector<4x256xf32>
    %logistic3A_685 = arith.constant 1.000000e+00 : f32
    %logistic3A_686 = vector.broadcast %logistic3A_685 : f32 to vector<4x256xf32>
    %logistic3A_687 = arith.addf %logistic3A_686, %logistic3A_684 : vector<4x256xf32>
    %logistic3A_688 = arith.divf %logistic3A_686, %logistic3A_687 : vector<4x256xf32>
    %slice3A_689 = vector.extract_strided_slice %add3A_674 {offsets = [0, 512], sizes = [4, 256], strides = [1, 1]} : vector<4x1024xf32> to vector<4x256xf32>
    %tanh3A_690 = math.tanh %slice3A_689 : vector<4x256xf32>
    %slice3A_691 = vector.extract_strided_slice %add3A_674 {offsets = [0, 768], sizes = [4, 256], strides = [1, 1]} : vector<4x1024xf32> to vector<4x256xf32>
    %logistic3A_692 = arith.negf %slice3A_691 : vector<4x256xf32>
    %logistic3A_693 = math.exp %logistic3A_692 : vector<4x256xf32>
    %logistic3A_694 = arith.constant 1.000000e+00 : f32
    %logistic3A_695 = vector.broadcast %logistic3A_694 : f32 to vector<4x256xf32>
    %logistic3A_696 = arith.addf %logistic3A_695, %logistic3A_693 : vector<4x256xf32>
    %logistic3A_697 = arith.divf %logistic3A_695, %logistic3A_696 : vector<4x256xf32>
    %mul3A_698 = arith.mulf %logistic3A_688, %add3A_614 : vector<4x256xf32>
    %mul3A_699 = arith.mulf %logistic3A_681, %tanh3A_690 : vector<4x256xf32>
    %add3A_700 = arith.addf %mul3A_698, %mul3A_699 : vector<4x256xf32>
    %tanh3A_701 = math.tanh %add3A_700 : vector<4x256xf32>
    %mul3A_702 = arith.mulf %logistic3A_697, %tanh3A_701 : vector<4x256xf32>
    %concatenate3A = tpu.concatenate %mul3A_659, %mul3A_702 in 1 : vector<4x256xf32>, vector<4x256xf32> -> vector<4x512xf32>
    %get3A_703 = arith.constant 0 : index
    %get3A_704 = arith.constant 0 : index
    %get3A_705 = vector.load %arg7[%get3A_703, %get3A_704] : memref<2048x512xf32, #tpu.memory_space<vmem>>, vector<2048x512xf32>
    %dot_general3A_706 = arith.constant dense<0.000000e+00> : vector<4x2048xf32>
    %dot_general3A_707 = tpu.matmul %concatenate3A, %get3A_705, %dot_general3A_706 {dimension_numbers = #tpu.dot_dimension_numbers<[1], [1], [0], [0], [0, 0, 1, 0], [], []>, transpose_lhs_hint = false} : vector<4x512xf32>, vector<2048x512xf32>, vector<4x2048xf32> -> vector<4x2048xf32>
    %get3A_708 = arith.constant 0 : index
    %get3A_709 = arith.constant 0 : index
    %get3A_710 = vector.load %arg8[%get3A_708, %get3A_709] : memref<1x2048xf32, #tpu.memory_space<vmem>>, vector<1x2048xf32>
    %add3A_711 = vector.broadcast %get3A_710 : vector<1x2048xf32> to vector<4x2048xf32>
    %add3A_712 = arith.addf %dot_general3A_707, %add3A_711 : vector<4x2048xf32>
    %swap3A = arith.constant 0 : index
    %swap3A_713 = arith.constant 0 : index
    %swap3A_714 = vector.load %arg13[%swap3A, %swap3A_713] : memref<4x4128xf32, #tpu.memory_space<vmem>>, vector<4x2048xf32>
    tpu.vector_store %arg13[%swap3A, %swap3A_713], %add3A_712 {strides = array<i32>} : memref<4x4128xf32, #tpu.memory_space<vmem>>, vector<4x2048xf32>,
    %get3A_715 = arith.constant 0 : index
    %get3A_716 = arith.constant 0 : index
    %get3A_717 = vector.load %arg9[%get3A_715, %get3A_716] : memref<2048x512xf32, #tpu.memory_space<vmem>>, vector<2048x512xf32>
    %dot_general3A_718 = arith.constant dense<0.000000e+00> : vector<4x2048xf32>
    %dot_general3A_719 = tpu.matmul %concatenate3A, %get3A_717, %dot_general3A_718 {dimension_numbers = #tpu.dot_dimension_numbers<[1], [1], [0], [0], [0, 0, 1, 0], [], []>, transpose_lhs_hint = false} : vector<4x512xf32>, vector<2048x512xf32>, vector<4x2048xf32> -> vector<4x2048xf32>
    %get3A_720 = arith.constant 0 : index
    %get3A_721 = arith.constant 0 : index
    %get3A_722 = vector.load %arg10[%get3A_720, %get3A_721] : memref<1x2048xf32, #tpu.memory_space<vmem>>, vector<1x2048xf32>
    %add3A_723 = vector.broadcast %get3A_722 : vector<1x2048xf32> to vector<4x2048xf32>
    %add3A_724 = arith.addf %dot_general3A_719, %add3A_723 : vector<4x2048xf32>
    %swap3A_725 = arith.constant 0 : index
    %swap3A_726 = arith.constant 2048 : index
    %swap3A_727 = vector.load %arg13[%swap3A_725, %swap3A_726] : memref<4x4128xf32, #tpu.memory_space<vmem>>, vector<4x2048xf32>
    tpu.vector_store %arg13[%swap3A_725, %swap3A_726], %add3A_724 {strides = array<i32>} : memref<4x4128xf32, #tpu.memory_space<vmem>>, vector<4x2048xf32>,
    %get3A_728 = arith.constant 0 : index
    %get3A_729 = arith.constant 0 : index
    %get3A_730 = vector.load %arg11[%get3A_728, %get3A_729] : memref<32x512xf32, #tpu.memory_space<vmem>>, vector<32x512xf32>
    %dot_general3A_731 = arith.constant dense<0.000000e+00> : vector<4x32xf32>
    %dot_general3A_732 = tpu.matmul %concatenate3A, %get3A_730, %dot_general3A_731 {dimension_numbers = #tpu.dot_dimension_numbers<[1], [1], [0], [0], [0, 0, 1, 0], [], []>, transpose_lhs_hint = false} : vector<4x512xf32>, vector<32x512xf32>, vector<4x32xf32> -> vector<4x32xf32>
    %get3A_733 = arith.constant 0 : index
    %get3A_734 = arith.constant 0 : index
    %get3A_735 = vector.load %arg12[%get3A_733, %get3A_734] : memref<1x32xf32, #tpu.memory_space<vmem>>, vector<1x32xf32>
    %add3A_736 = vector.broadcast %get3A_735 : vector<1x32xf32> to vector<4x32xf32>
    %add3A_737 = arith.addf %dot_general3A_732, %add3A_736 : vector<4x32xf32>
    %swap3A_738 = arith.constant 0 : index
    %swap3A_739 = arith.constant 4096 : index
    %swap3A_740 = vector.load %arg13[%swap3A_738, %swap3A_739] : memref<4x4128xf32, #tpu.memory_space<vmem>>, vector<4x32xf32>
    tpu.vector_store %arg13[%swap3A_738, %swap3A_739], %add3A_737 {strides = array<i32>} : memref<4x4128xf32, #tpu.memory_space<vmem>>, vector<4x32xf32>,
    return
  }
}

</mosaic_0001>

<sc_bundles>
// kernel: kernel.8.cloned.1.call-start
scs
__scs_entry_jumppad:
0x0: {  	(pc) =	sbr.rel $0x88, $3  }
0x1: {  	(tag) =	ssettag $0x0;
	lr =	simm.s32 $0x1  }
0x2: {  	[smem:$0x3F85] =	sst lr;
	_ =	strace $0xD0000000  }
0x3: {  	_ = 	snop  }
0x4: {  	_ = 	snop  }
0x5: {  	_ = 	snop  }
0x6: {  	_ = 	snop  }
0x7: {  	_ = 	snop  }
__scs_overlays_trampoline_lowered:
0x8: {  	[smem:$0x3F94] =	sst s0  }
0x9: {  	[smem:$0x3F95] =	sst s1  }
0xa: {  	[smem:$0x3F96] =	sst s2  }
0xb: {  	[smem:$0x3F97] =	sst s3  }
0xc: {  	[smem:$0x3F98] =	sst s4  }
0xd: {  	[smem:$0x3F99] =	sst s5  }
0xe: {  	[smem:$0x3F9A] =	sst s6  }
0xf: {  	[smem:$0x3F9B] =	sst s7  }
0x10: {  	[smem:$0x3F9C] =	sst s8  }
0x11: {  	[smem:$0x3F9D] =	sst s9;
	s0 =	simm.s32 @!p0 $0x0  }
0x12: {  	s1 =	sld [smem:$0x3F83];
	s0 =	simm.s32 @p0 $0x1  }
0x13: {  	[smem:$0x3F9E] =	sst s0;
	s0 =	simm.s32 @!p1 $0x0  }
0x14: {  	s2 =	sld [smem:$0x3F82];
	s0 =	simm.s32 @p1 $0x1  }
0x15: {  	[smem:$0x3F9F] =	sst s0;
	s0 =	simm.s32 @!p2 $0x0  }
0x16: {  	s3 =	sld [smem:$0x3FDB];
	s0 =	simm.s32 @p2 $0x1  }
0x17: {  	s4 =	simm.s32 $0x1BF5;
	[smem:$0x3FA1] =	sst s0  }
0x18: {  	s0 =	sld [smem:$0x3F84];
	_ =	swait.ge [sflag:s4], $0x0  }
0x19: {  	s7 =	sld [smem:$0x3F85]  }
0x1a: {  	s8 =	sadd.s32 $0xFFFFE003, lr  }
0x1b: {  	s9 =	sadd.s32 $0xFFFFFEF7, lr;
	s5 =	simm.s32 $0xFFFFFFFF;
	p2 =	slt.u32 s8, $0xFFFFF086  }
0x1c: {  	p1 =	slt.u32 s9, $0xF7A;
	s5 =	simm.s32 @!p2 $0x0  }
0x1d: {  	s5 =	simm.s32 @p1 $0x1;
	p0 =	seq.s32 s7, s2  }
0x1e: {  	s7 =	smul.u32 @!p0 $0xF7A, s2;
	p2 =	seq.s32 @!p0 s5, $0x0  }
0x1f: {  	s9 =	smul.u32 $0xF7A, s1;
	s8 =	simm.s32 @!p0 $0x1BF5;
	p2 =	por !p2, p0  }
0x20: {  	[sflag:s8] =	ssyncset.s32 @!p0 $0xFFFFF086;
	s6 =	sadd.s32 @!p0 s3, s7;
	s7 =	simm.s32 @!p0 $0x108  }
0x21: {  	s3 =	sadd.s32 s3, s9;
	s6 =	sadd.s32 @!p0 $0x88, s6;
	s7 =	simm.s32 @p2 $0x1082  }
0x22: {  	[simem:s7], [sflag:s8] =	dma.local @!p0 [hbm:s6], $0xF7A  }
0x23: {  	s9 =	sor.u32 $0xD0000000, s2;
	s6 =	simm.s32 $0x108;
	_ =	swait.ge @!p0 [sflag:s8], $0x0  }
0x24: {  	s3 =	sadd.s32 $0x88, s3;
	s6 =	simm.s32 @!p1 $0x1082;
	[sflag:s4] =	ssyncset.s32 $0xFFFFF086  }
0x25: {  	[simem:s6], [sflag:s4] =	dma.local [hbm:s3], $0xF7A  }
0x26: {  	[smem:$0x3F85] =	sst s1;
	(tag) =	ssettag s2;
	_ =	strace s9  }
0x27: {  	s1 =	sld [smem:$0x3F95]  }
0x28: {  	s2 =	sld [smem:$0x3F96]  }
0x29: {  	s4 =	sld [smem:$0x3F98]  }
0x2a: {  	p0 =	seq.s32 s5, $0x0;
	s5 =	sld [smem:$0x3F99]  }
0x2b: {  	s6 =	sld [smem:$0x3F9A]  }
0x2c: {  	s7 =	sld [smem:$0x3F9B]  }
0x2d: {  	s3 =	simm.s32 $0x108;
	s8 =	sld [smem:$0x3F9C]  }
0x2e: {  	s3 =	simm.s32 @!p0 $0x1082;
	s9 =	sld [smem:$0x3F9D]  }
0x2f: {  	lr =	sadd.s32 s0, s3;
	s0 =	sld [smem:$0x3F94]  }
0x30: {  	s3 =	sld [smem:$0x3F97]  }
0x31: {  	[smem:$0x3FA0] =	sst s10  }
0x32: {  	s10 =	sld [smem:$0x3F9E];
	_ =	sdelay $0x3  }
0x33: {  	p0 =	seq.s32 s10, $0x1;
	s10 =	sld [smem:$0x3FA0];
	_ =	sdelay $0x3  }
0x34: {  	[smem:$0x3FA0] =	sst s10  }
0x35: {  	s10 =	sld [smem:$0x3F9F];
	_ =	sdelay $0x3  }
0x36: {  	p1 =	seq.s32 s10, $0x1;
	s10 =	sld [smem:$0x3FA0];
	_ =	sdelay $0x3  }
0x37: {  	[smem:$0x3FA0] =	sst s10  }
0x38: {  	s10 =	sld [smem:$0x3FA1]  }
0x39: {  	_ = 	snop;
	(pc) =	sbr.ind lr, $3  }
0x3a: {  	_ = 	snop  }
0x3b: {  	_ = 	snop  }
0x3c: {  	p2 =	seq.s32 s10, $0x1;
	s10 =	sld [smem:$0x3FA0]  }
0x3d: {  	_ =	shalt  }
0x3e: {  	_ =	shalt  }
0x3f: {  	_ =	shalt  }
0x40: {  	_ =	shalt  }
0x41: {  	_ =	shalt  }
0x42: {  	_ =	shalt  }
0x43: {  	_ =	shalt  }
0x44: {  	_ =	shalt  }
0x45: {  	_ =	shalt  }
0x46: {  	_ =	shalt  }
0x47: {  	_ =	shalt  }
0x48: {  	_ =	shalt  }
0x49: {  	_ =	shalt  }
0x4a: {  	_ =	shalt  }
0x4b: {  	_ =	shalt  }
0x4c: {  	_ =	shalt  }
0x4d: {  	_ =	shalt  }
0x4e: {  	_ =	shalt  }
0x4f: {  	_ =	shalt  }
0x50: {  	_ =	shalt  }
0x51: {  	_ =	shalt  }
0x52: {  	_ =	shalt  }
0x53: {  	_ =	shalt  }
0x54: {  	_ =	shalt  }
0x55: {  	_ =	shalt  }
0x56: {  	_ =	shalt  }
0x57: {  	_ =	shalt  }
0x58: {  	_ =	shalt  }
0x59: {  	_ =	shalt  }
0x5a: {  	_ =	shalt  }
0x5b: {  	_ =	shalt  }
0x5c: {  	_ =	shalt  }
0x5d: {  	_ =	shalt  }
0x5e: {  	_ =	shalt  }
0x5f: {  	_ =	shalt  }
0x60: {  	_ =	shalt  }
0x61: {  	_ =	shalt  }
0x62: {  	_ =	shalt  }
0x63: {  	_ =	shalt  }
0x64: {  	_ =	shalt  }
0x65: {  	_ =	shalt  }
0x66: {  	_ =	shalt  }
0x67: {  	_ =	shalt  }
0x68: {  	_ =	shalt  }
0x69: {  	_ =	shalt  }
0x6a: {  	_ =	shalt  }
0x6b: {  	_ =	shalt  }
0x6c: {  	_ =	shalt  }
0x6d: {  	_ =	shalt  }
0x6e: {  	_ =	shalt  }
0x6f: {  	_ =	shalt  }
0x70: {  	_ =	shalt  }
0x71: {  	_ =	shalt  }
0x72: {  	_ =	shalt  }
0x73: {  	_ =	shalt  }
0x74: {  	_ =	shalt  }
0x75: {  	_ =	shalt  }
0x76: {  	_ =	shalt  }
0x77: {  	_ =	shalt  }
0x78: {  	_ =	shalt  }
0x79: {  	_ =	shalt  }
0x7a: {  	_ =	shalt  }
0x7b: {  	_ =	shalt  }
0x7c: {  	_ =	shalt  }
0x7d: {  	_ =	shalt  }
0x7e: {  	_ =	shalt  }
0x7f: {  	_ =	shalt  }
0x80: {  	_ =	shalt  }
0x81: {  	_ =	shalt  }
0x82: {  	_ =	shalt  }
0x83: {  	_ =	shalt  }
0x84: {  	_ =	shalt  }
0x85: {  	_ =	shalt  }
0x86: {  	_ =	shalt  }
0x87: {  	_ =	shalt  }
.Lfunc_end0:
.L_simem_size_0:
called_computation_lowered:
.L_overlay_start_0:
0x88: {  	s2 =	sld [smem:$0x3FD9]  }
0x89: {  	s3 =	sld [smem:$0x3FFE];
	_ =	sdelay $0x1  }
0x8a: {  	s1 =	srdreg.scid  }
0x8b: {  	s0 =	sand.u32 $0x1, s1  }
0x8c: {  	s17 =	sshll.u32 s0, $0xA;
	s2 =	sadd.s32 s3, s2  }
0x8d: {  	s2 =	sadd.s32 s2, s17  }
0x8e: {  	[smem:$0x3FAC] =	sst s2  }
0x8f: {  	_ = 	snop  }
0x90: {  	s2 =	sld [smem:$0x3FC8];
	(tm) =	ssettm $0x1  }
0x91: {  	s18 =	sld [smem:$0x3FFB];
	_ =	sdelay $0x3  }
0x92: {  	_ =	strace s18  }
0x93: {  	s3 =	sld [smem:$0x3FFC];
	_ =	sdelay $0x3  }
0x94: {  	_ =	strace s3  }
0x95: {  	s3 =	sld [smem:$0x3FFD];
	_ =	sdelay $0x3  }
0x96: {  	_ =	strace s3  }
0x97: {  	_ =	strace $0x8FFFFFFF  }
0x98: {  	s19 =	sld [smem:$0x3FDB];
	_ =	sdelay $0x1  }
0x99: {  	s4 =	simm.s32 $_scs_section_size  }
0x9a: {  	s5 =	simm.s32 $_size__tile_overlayer_lowered;
	s6 =	simm.s32 $_tile_overlayer_lowered  }
0x9b: {  	s22 =	simm.s32 $0x1BFF;
	s21 =	sshll.u32 s6, $0x1;
	s3 =	sadd.s32 s4, s19  }
0x9c: {  	s7 =	simm.s32 $0x0;
	s20 =	sshll.u32 s5, $0x1;
	s5 =	sadd.s32 s21, s3  }
0x9d: {  	[timem:s7], [sflag:s22] =	dma.local [hbm:s5], s20  }
0x9e: {  	_ =	swait.ge [sflag:s22], s20  }
0x9f: {  	s4 =	ssub.s32 $0x0, s20;
	[sflag:s22] =	ssyncset.done $0x0  }
0xa0: {  	[sflag:s22] =	ssyncadd.s32 s4;
	_ =	sdelay $0x1  }
0xa1: {  	s23 =	simm.s32 $0x1B8B  }
0xa2: {  	_ =	swait.ge [sflag:s23], $0x1  }
0xa3: {  	[sflag:s23] =	ssyncset.done $0x0  }
0xa4: {  	s25 =	simm.s32 $0x1B8E;
	s24 =	sld [smem:$0x3FFE];
	[sflag:s23] =	ssyncadd.s32 $0xFFFFFFFF  }
0xa5: {  	s26 =	simm.s32 $execute0_lowered;
	[smem:$0x3FD2] =	sst s25  }
0xa6: {  	s5 =	sshll.u32 s26, $0x1;
	_ =	strace $0x80000046;
	[dreg:$0x1] =	wrdreg $0xFFFFFFFF  }
0xa7: {  	s28 =	simm.s32 $_size_execute0_lowered;
	s3 =	sadd.s32 s3, s5;
	[dreg:$0x0] =	wrdreg $0x0  }
0xa8: {  	s5 =	sshll.u32 s28, $0x1;
	[dreg:$0x2] =	wrdreg s3  }
0xa9: {  	[dreg:$0x3] =	wrdreg s5  }
0xaa: {  	[dreg:$0x4] =	wrdreg $0xC0  }
0xab: {  	_ =	task [dreg:s7], $0x5FFFF  }
0xac: {  	[dreg:$0x1] =	wrdreg $0xFFFFFFFF  }
0xad: {  	[dreg:$0x0] =	wrdreg $0x60  }
0xae: {  	[dreg:$0x2] =	wrdreg s2  }
0xaf: {  	[dreg:$0x3] =	wrdreg s24  }
0xb0: {  	[dreg:$0x4] =	wrdreg $0x45000  }
0xb1: {  	[dreg:$0x5] =	wrdreg $0x9  }
0xb2: {  	_ =	task.clear_ibuf [dreg:s7], $0x6FFFF;
	_ =	strace $0x90000046  }
0xb3: {  	s29 =	simm.s32 $0x9;
	_ =	strace $0x80000048  }
0xb4: {  	_ =	swait.ge [sflag:s29], $0x1  }
0xb5: {  	[sflag:s29] =	ssyncadd.s32 $0xFFFFFFFF  }
0xb6: {  	_ =	strace $0x90000048  }
0xb7: {  	_ =	sfence  }
0xb8: {  	s30 =	sld [smem:$0x0];
	_ =	sdelay $0x2  }
0xb9: {  	s31 =	sshll.u32 s1, $0xD;
	s1 =	sshrl.u32 s1, $0x2  }
0xba: {  	s3 =	sand.u32 $0x4000, s31;
	s1 =	sadd.s32 s1, s30  }
0xbb: {  	s0 =	sor.u32 s3, s0;
	s1 =	sshll.u32 s1, $0x11  }
0xbc: {  	s0 =	sor.u32 s1, s0  }
0xbd: {  	s0 =	sadd.s32 $0x8F2B, s0  }
0xbe: {  	[sflag:s0] =	ssyncadd.remote.s32 $0x1  }
0xbf: {  	_ =	sfence.sel $0xFFFF  }
0xc0: {  	[dreg:$0x0] =	wrdreg $0xFFFFFFFF;
	(pc) =	sbr.abs _section_cstart, $3  }
0xc1: {  	[dreg:$0x1] =	wrdreg $0xFFFFFFFF  }
0xc2: {  	_ =	task.clear_ibuf [dreg:s7], $0x2FFFF;
	_ =	strace $0x9FFFFFFF  }
0xc3: {  	(tm) =	ssettm $0x7FFFFFFF  }
tec
execute0_lowered:
.L_overlay_start_1:
0x0: {  	(tag) =	ssettag $0x1  }
0x1: {  	s4 =	rddreg [dreg:$0x0]  }
0x2: {  	s5 =	rddreg [dreg:$0x1]  }
0x3: {  	s2 =	rddreg [dreg:$0x2]  }
0x4: {  	s0 =	rddreg [dreg:$0x3]  }
0x5: {  	s3 =	simm.s32 $0x0;
	s6 =	srdreg.scid;
	s1 =	stileid.u32  }
0x6: {  	s12 =	simm.s32 $0x500;
	s13 =	simm.s32 $0x110;
	s14 =	simm.s32 $0x200  }
0x7: {  	s15 =	simm.s32 $0x380;
	s18 =	simm.s32 $0x20;
	s19 =	simm.s32 $0x10  }
0x8: {  	s20 =	simm.s32 $0x0;
	s6 =	sand.u32 $0x1, s6;
	s7 =	sshll.u32 s1, $0x1  }
0x9: {  	[smem:$0x7FF] =	sst s3;
	s29 =	sshll.u32 s1, $0xE;
	s7 =	sor.u32 s6, s7  }
0xa: {  	s30 =	sshll.u32 s1, $0xC;
	s16 =	sshll.u32 s1, $0x6;
	s28 =	sshll.u32 s7, $0x4  }
0xb: {  	_ =	strace $0x80000047;
	s8 =	ssub.s32 $0x2, s6;
	s6 =	sshll.u32 s6, $0x4;
	v0 =	vmov s28  }
0xc: {  	s16 =	sor.u32 $0x1C01, s16;
	s9 =	sshrl.u32 s8, $0x1;
	s10 =	sshll.u32 s7, $0x6;
	v0 =	vmul.u32 $0x201, v0  }
0xd: {  	v1 =	vlaneseq.u32;
	s11 =	sadd.s32 s6, s5;
	s6 =	sadd.s32 s29, s2;
	s8 =	ssub.s32 s8, s9  }
0xe: {  	v1 =	vmul.u32 $0x201, v1;
	s4 =	sadd.s32 s4, s10;
	s31 =	sadd.s32 s30, s11;
	s9 =	simm.s32 $0x80;
	v0 =	vbroadcast v0, $0x0  }
0xf: {  	s10 =	simm.s32 $0x100;
	s11 =	simm.s32 $0x1;
	s17 =	sshrl.u32 s6, $0x3  }
0x10: {  	v2 =	vimm.f32 $0.0e+00;
	s5 =	sadd.s32 $0x10, s4;
	s7 =	sadd.s32 $0x4800, s31;
	s8 =	smax.u32 s8, $0x1;
	v0 =	vadd.s32 v1, v0;
	v1 =	vimm.f32 $1.000000000e+00  }
.LBB2_1:
0x11: {  	[tilespmem:s3], [sflag:$0x1] =	stream.strided.gather [hbm4b:s4+s9], $0x100, s10, s9, $0x38;
	[tilespmem:$0x8500] =	vst v63  }
0x12: {  	_ =	swait.ge [sflag:s11], $0x100  }
0x13: {  	[sflag:s11] =	ssyncset.done $0x0  }
0x14: {  	[sflag:s11] =	ssyncadd.s32 $0xFFFFFF00  }
0x15: {  	[tilespmem:s10], [sflag:$0x1] =	stream.strided.gather [hbm4b:s5+s9], $0x100, s10, s9, $0x38;
	[tilespmem:$0x8500] =	vst v63  }
0x16: {  	_ =	swait.ge [sflag:s11], $0x100  }
0x17: {  	[sflag:s11] =	ssyncset.done $0x0  }
0x18: {  	[sflag:s11] =	ssyncadd.s32 $0xFFFFFF00  }
0x19: {  	v3 =	vld [tilespmem:$0x100]  }
0x1a: {  	v4 =	vld [tilespmem:$0x0]  }
0x1b: {  	v5 =	vld [tilespmem:$0x110]  }
0x1c: {  	v6 =	vld [tilespmem:$0x10]  }
0x1d: {  	v7 =	vld [tilespmem:$0x120]  }
0x1e: {  	v8 =	vld [tilespmem:$0x20]  }
0x1f: {  	v9 =	vld [tilespmem:$0x130]  }
0x20: {  	v10 =	vld [tilespmem:$0x30]  }
0x21: {  	v11 =	vld [tilespmem:$0x140]  }
0x22: {  	v12 =	vld [tilespmem:$0x40]  }
0x23: {  	v13 =	vld [tilespmem:$0x150]  }
0x24: {  	v14 =	vld [tilespmem:$0x50]  }
0x25: {  	v15 =	vld [tilespmem:$0x160]  }
0x26: {  	v16 =	vld [tilespmem:$0x60]  }
0x27: {  	v17 =	vld [tilespmem:$0x170]  }
0x28: {  	v18 =	vld [tilespmem:$0x70]  }
0x29: {  	v19 =	vld [tilespmem:$0x180];
	[tilespmem:$0x380] =	vst v1  }
0x2a: {  	v20 =	vld [tilespmem:$0x80];
	[tilespmem:$0x390] =	vst v1;
	v3 =	vshll.u32 v3, $0x9  }
0x2b: {  	v42 =	vld [tilespmem:$0x190];
	[tilespmem:$0x3A0] =	vst v1;
	v41 =	vshll.u32 v5, $0x9;
	v3 =	vadd.s32 v4, v3  }
0x2c: {  	v44 =	vld [tilespmem:$0x90];
	v43 =	vshll.u32 v7, $0x9;
	[tilespmem:$0x200] =	vst v3;
	v3 =	vadd.s32 v6, v41  }
0x2d: {  	v46 =	vld [tilespmem:$0x1A0];
	v45 =	vshll.u32 v9, $0x9;
	[tilespmem:$0x210] =	vst v3;
	v3 =	vadd.s32 v8, v43  }
0x2e: {  	v48 =	vld [tilespmem:$0xA0];
	v47 =	vshll.u32 v11, $0x9;
	[tilespmem:$0x220] =	vst v3;
	v3 =	vadd.s32 v10, v45  }
0x2f: {  	v50 =	vld [tilespmem:$0x1B0];
	v49 =	vshll.u32 v13, $0x9;
	[tilespmem:$0x230] =	vst v3;
	v3 =	vadd.s32 v12, v47  }
0x30: {  	v52 =	vld [tilespmem:$0xB0];
	v51 =	vshll.u32 v15, $0x9;
	[tilespmem:$0x240] =	vst v3;
	v3 =	vadd.s32 v14, v49  }
0x31: {  	v54 =	vld [tilespmem:$0x1C0];
	v53 =	vshll.u32 v17, $0x9;
	[tilespmem:$0x250] =	vst v3;
	v3 =	vadd.s32 v16, v51  }
0x32: {  	v56 =	vld [tilespmem:$0xC0];
	v55 =	vshll.u32 v19, $0x9;
	[tilespmem:$0x260] =	vst v3;
	v3 =	vadd.s32 v18, v53  }
0x33: {  	v57 =	vshll.u32 v42, $0x9;
	[tilespmem:$0x270] =	vst v3;
	v3 =	vadd.s32 v20, v55  }
0x34: {  	v58 =	vshll.u32 v46, $0x9;
	[tilespmem:$0x280] =	vst v3;
	v3 =	vadd.s32 v44, v57  }
0x35: {  	v59 =	vshll.u32 v50, $0x9;
	[tilespmem:$0x290] =	vst v3;
	v3 =	vadd.s32 v48, v58  }
0x36: {  	v60 =	vshll.u32 v54, $0x9;
	[tilespmem:$0x2A0] =	vst v3;
	v3 =	vadd.s32 v52, v59  }
0x37: {  	v61 =	vld [tilespmem:$0x1D0];
	[tilespmem:$0x2B0] =	vst v3;
	v3 =	vadd.s32 v56, v60  }
0x38: {  	[tilespmem:$0x2C0] =	vst v3;
	v3 =	vld [tilespmem:$0xD0]  }
0x39: {  	[tilespmem:$0x3B0] =	vst v1  }
0x3a: {  	[tilespmem:$0x3C0] =	vst v1  }
0x3b: {  	[tilespmem:$0x3D0] =	vst v1  }
0x3c: {  	[tilespmem:$0x3E0] =	vst v1;
	v4 =	vshll.u32 v61, $0x9  }
0x3d: {  	v62 =	vld [tilespmem:$0x1E0];
	[tilespmem:$0x3F0] =	vst v1;
	v3 =	vadd.s32 v3, v4  }
0x3e: {  	[tilespmem:$0x2D0] =	vst v3;
	v3 =	vld [tilespmem:$0xE0]  }
0x3f: {  	[tilespmem:$0x400] =	vst v1  }
0x40: {  	[tilespmem:$0x410] =	vst v1  }
0x41: {  	[tilespmem:$0x420] =	vst v1  }
0x42: {  	[tilespmem:$0x430] =	vst v1;
	v4 =	vshll.u32 v62, $0x9  }
0x43: {  	v63 =	vld [tilespmem:$0x1F0];
	[tilespmem:$0x440] =	vst v1;
	v3 =	vadd.s32 v3, v4  }
0x44: {  	[tilespmem:$0x2E0] =	vst v3;
	v3 =	vld [tilespmem:$0xF0]  }
0x45: {  	[tilespmem:$0x450] =	vst v1  }
0x46: {  	[tilespmem:$0x460] =	vst v1  }
0x47: {  	[tilespmem:$0x470] =	vst v1  }
0x48: {  	[tilespmem:$0x300] =	vst v0;
	v4 =	vshll.u32 v63, $0x9  }
0x49: {  	[tilespmem:$0x480] =	vst v1;
	v3 =	vadd.s32 v3, v4  }
0x4a: {  	s21 =	simm.s32 $0x0;
	s22 =	simm.s32 $0x200;
	[tilespmem:$0x2F0] =	vst v3  }
.LBB2_2:
0x4b: {  	p0 =	sne.s32 s22, $0xFE00;
	[tilespmem:s21+$0x570] =	vst v2  }
0x4c: {  	[tilespmem:s21+$0x500] =	vst v2  }
0x4d: {  	[tilespmem:s21+$0x510] =	vst v2  }
.Ltmp0:
0x4e: {  	[tilespmem:s21+$0x520] =	vst v2;
	(pc) =	sbr.rel @p0 .LBB2_2-.Ltmp0, $4  }
0x4f: {  	[tilespmem:s21+$0x530] =	vst v2  }
0x50: {  	[tilespmem:s21+$0x540] =	vst v2  }
0x51: {  	[tilespmem:s21+$0x550] =	vst v2  }
0x52: {  	[tilespmem:s21+$0x560] =	vst v2;
	s21 =	sshra.s32 s22, $0x2;
	s22 =	sadd.s32 $0x200, s22  }
0x53: {  	[tilespmem:s21+$0x570] =	vst v2  }
0x54: {  	[tilespmem:s21+$0x500] =	vst v2  }
0x55: {  	[tilespmem:s21+$0x510] =	vst v2  }
0x56: {  	[tilespmem:s21+$0x520] =	vst v2  }
0x57: {  	[tilespmem:s21+$0x530] =	vst v2  }
0x58: {  	[tilespmem:s21+$0x540] =	vst v2  }
0x59: {  	[tilespmem:s21+$0x550] =	vst v2  }
0x5a: {  	[tilespmem:s21+$0x560] =	vst v2  }
0x5b: {  	[spmem:s6] =	stream.linear.scatter [tilespmem:s12], [sflag:$0x1], $0x4000, $0x38;
	[tilespmem:$0x8500] =	vst v63  }
0x5c: {  	_ =	swait.ge [sflag:s11], $0x4000  }
0x5d: {  	[sflag:s11] =	ssyncset.done $0x0  }
0x5e: {  	[sflag:s11] =	ssyncadd.s32 $0xFFFFC000  }
0x5f: {  	[bflag:$0x0] =	sbarrier.arrive $0xFFFF  }
0x60: {  	[spmem:s2] =	stream.indirect.scatter.add.f32 [tilespmem:s15], [sflag:$0x1], $0x1, s14, s13, $0xb8;
	[tilespmem:$0x8500] =	vst v63  }
0x61: {  	_ =	swait.ge [sflag:s11], $0x110  }
0x62: {  	s20 =	sadd.s32 $0x1, s20;
	[sflag:s11] =	ssyncset.done $0x0  }
0x63: {  	p0 =	sne.s32 s20, s8;
	[sflag:s11] =	ssyncadd.s32 $0xFFFFFEF0  }
.Ltmp1:
0x64: {  	[bflag:$0x0] =	sbarrier.arrive $0xFFFF;
	(pc) =	sbr.rel @p0 .LBB2_1-.Ltmp1, $4  }
0x65: {  	[hbm:s7@s18], [sflag:s16] =	dma.strided [spmem:s17@s19], $0x800, s11, $0x10   }
0x66: {  	_ =	swait.ge [sflag:s11], $0x800  }
0x67: {  	[sflag:s11] =	ssyncset.done $0x0  }
0x68: {  	[sflag:s11] =	ssyncadd.s32 $0xFFFFF800  }
0x69: {  	_ =	sfence.sel $0x180000  }
0x6a: {  	[bflag:$0x0] =	sbarrier.arrive $0xFFFF  }
0x6b: {  	p0 =	sne.s32 s1, $0x0;
	_ =	strace $0x90000047  }
0x6c: {  	s0 =	sadd.s32 @!p0 $0x100000, s0;
	[bflag:$0x2] =	sbarrier.arrive $0xFFFF  }
0x6d: {  	[sflag:s0] =	ssyncadd.tile.s32 @!p0 $0x1;
	_ =	shalt  }
.Lfunc_end2:
_tile_overlayer_lowered:
.L_overlay_start_2:
0x6e: {  	(tag) =	ssettag $0x2  }
0x6f: {  	s0 =	rddreg [dreg:$0x0];
	s2 =	stileid.u32  }
0x70: {  	s1 =	rddreg [dreg:$0x1];
	p0 =	sne.s32 s2, $0x0  }
0x71: {  	s3 =	rddreg [dreg:$0x2];
	[bflag:$0x3] =	sbarrier.arrive $0xFFFF;
	s2 =	simm.s32 @!p0 $0x1C01  }
0x72: {  	[timem:s3], [sflag:s2] =	dma.local @!p0 [hbm:s0], s1  }
0x73: {  	s0 =	simm.s32 @!p0 $0x1  }
0x74: {  	_ =	swait.ge @!p0 [sflag:s0], s1  }
0x75: {  	s1 =	ssub.s32 @!p0 $0x0, s1;
	[sflag:s0] =	ssyncset.done @!p0 $0x0  }
0x76: {  	[sflag:s0] =	ssyncadd.s32 @!p0 s1  }
0x77: {  	[bflag:$0x3] =	sbarrier.arrive $0xFFFF  }
0x78: {  	_ =	shalt  }

</sc_bundles>
